<compile_context>
chip_gen: v7x
topology: tpu7x:2x2x1
jax: 0.10.2.dev20260603
libtpu: 0.0.44.dev20260713+nightly
codegen_flags: <defaults>
</compile_context>

<pallas_src>
import functools

import jax
import jax.numpy as jnp
from jax import lax
from jax.experimental import pallas as pl
from jax.experimental.pallas import tpu as pltpu
from jax.experimental.pallas import tpu_sc as plsc

NC, NS, L = 2, 16, 16
NW = NC * NS
CH = 8
NB = 4


def kernel(x, voxel_level, positional_encoding_table):
    b, s, d = x.shape
    n = b * s
    xf = x.reshape(n, d)
    idx = voxel_level.astype(jnp.int32).reshape(n)
    b_per_w = n // NW
    n_ch = b_per_w // CH
    mesh = plsc.VectorSubcoreMesh(core_axis_name="c", subcore_axis_name="s")

    buf = lambda: pltpu.VMEM((CH, d), x.dtype)
    scratch = [pltpu.VMEM((b_per_w,), jnp.int32)]
    scratch += [buf() for _ in range(3 * NB)]
    scratch += [pltpu.SemaphoreType.DMA for _ in range(3 * NB)]

    @functools.partial(
        pl.kernel, mesh=mesh,
        out_type=jax.ShapeDtypeStruct((n, d), x.dtype),
        scratch_types=scratch,
    )
    def sc_kern(idx_hbm, x_hbm, t_hbm, o_hbm, idx_v, *rest):
        pe_v = rest[0:NB]
        x_v = rest[NB:2 * NB]
        ob_v = rest[2 * NB:3 * NB]
        sem_g = rest[3 * NB:4 * NB]
        sem_x = rest[4 * NB:5 * NB]
        sem_o = rest[5 * NB:6 * NB]

        wid = lax.axis_index("s") * NC + lax.axis_index("c")
        base = wid * b_per_w
        pltpu.sync_copy(idx_hbm.at[pl.ds(base, b_per_w)], idx_v)

        def issue(c, bslot):
            pltpu.async_copy(
                t_hbm.at[idx_v.at[pl.ds(c * CH, CH)]], pe_v[bslot],
                sem_g[bslot])
            pltpu.async_copy(
                x_hbm.at[pl.ds(base + c * CH, CH)], x_v[bslot],
                sem_x[bslot])

        for bslot in range(NB):
            issue(bslot, bslot)

        @pl.loop(0, n_ch, step=NB)
        def _group(ci):
            for bslot in range(NB):
                c = ci + bslot
                pltpu.make_async_copy(
                    t_hbm.at[idx_v.at[pl.ds(c * CH, CH)]], pe_v[bslot],
                    sem_g[bslot]).wait()
                pltpu.make_async_copy(
                    x_hbm.at[pl.ds(base + c * CH, CH)], x_v[bslot],
                    sem_x[bslot]).wait()

                @pl.when(ci > 0)
                def _drain():
                    pltpu.make_async_copy(
                        ob_v[bslot],
                        o_hbm.at[pl.ds(base + (c - NB) * CH, CH)],
                        sem_o[bslot]).wait()

                @pl.loop(0, CH)
                def _row(r):
                    @plsc.parallel_loop(0, d, step=L, unroll=16)
                    def _col(cc):
                        slc = (pl.ds(r, 1), pl.ds(cc, L))
                        ob_v[bslot].at[*slc][...] = (
                            x_v[bslot].at[*slc][...]
                            + pe_v[bslot].at[*slc][...]
                        )

                pltpu.async_copy(
                    ob_v[bslot], o_hbm.at[pl.ds(base + c * CH, CH)],
                    sem_o[bslot])

                @pl.when(c + NB < n_ch)
                def _refill():
                    issue(c + NB, bslot)

        for bslot in range(NB):
            c = n_ch - NB + bslot
            pltpu.make_async_copy(
                ob_v[bslot], o_hbm.at[pl.ds(base + c * CH, CH)],
                sem_o[bslot]).wait()

    return sc_kern(idx, xf, positional_encoding_table).reshape(b, s, d)

# --- scband reference (transcript-rebuilt; emitter-appended) ---
"""Pipeline reference for scband-positional-encoder-7507602833466 (READ-ONLY COPY).

The authoritative reference and input builder live on the scoring server;
editing this copy changes nothing except your own understanding.
"""

import jax, jax.numpy as jnp
import numpy as np

D_MODEL = 768
MAX_FLOOR_LEVEL = 512


def _make_table(d_model, max_floor_level):
    pos = np.arange(0, max_floor_level, dtype=np.float32)[:, None]
    _2i = np.arange(0, d_model, dtype=np.float32)[0::2]
    table = np.zeros((max_floor_level, d_model), dtype=np.float32)
    table[:, 0::2] = np.sin(pos / (10000.0 ** (_2i / d_model)))
    table[:, 1::2] = np.cos(pos / (10000.0 ** (_2i / d_model)))
    return jnp.asarray(table)


def setup_inputs(seed: int = 0) -> dict:
    key = jax.random.key(seed)
    k1, k2 = jax.random.split(key)
    x = jax.random.normal(k1, (4, 8192, D_MODEL), dtype=jnp.float32)
    voxel_level = jax.random.randint(k2, (4, 8192), 0, MAX_FLOOR_LEVEL, dtype=jnp.int64)
    table = _make_table(D_MODEL, MAX_FLOOR_LEVEL)
    return {"x": x, "voxel_level": voxel_level, "positional_encoding_table": table}


def reference(x, voxel_level, positional_encoding_table):
    # gather rows of the positional encoding table by voxel_level and add
    pe = jnp.take(positional_encoding_table, voxel_level, axis=0)
    return x + pe

if __name__ == "__main__":
    import jax
    _d = setup_inputs()
    print(jax.jit(kernel)(*tuple(_d.values())))

</pallas_src>

<mosaic_0001>
#map = affine_map<(d0, d1) -> (0)>
#map1 = affine_map<(d0, d1) -> (0, 0)>
module attributes {stable_mosaic.version = 14 : i64} {
  func.func @sc_kern(%arg0: i32, %arg1: i32, %arg2: memref<32768xi32, #tpu.memory_space<hbm>>, %arg3: memref<32768x768xf32, #tpu.memory_space<hbm>>, %arg4: memref<512x768xf32, #tpu.memory_space<hbm>>, %arg5: memref<32768x768xf32, #tpu.memory_space<hbm>>, %arg6: memref<1024xi32, #tpu.memory_space<vmem>>, %arg7: memref<8x768xf32, #tpu.memory_space<vmem>>, %arg8: memref<8x768xf32, #tpu.memory_space<vmem>>, %arg9: memref<8x768xf32, #tpu.memory_space<vmem>>, %arg10: memref<8x768xf32, #tpu.memory_space<vmem>>, %arg11: memref<8x768xf32, #tpu.memory_space<vmem>>, %arg12: memref<8x768xf32, #tpu.memory_space<vmem>>, %arg13: memref<8x768xf32, #tpu.memory_space<vmem>>, %arg14: memref<8x768xf32, #tpu.memory_space<vmem>>, %arg15: memref<8x768xf32, #tpu.memory_space<vmem>>, %arg16: memref<8x768xf32, #tpu.memory_space<vmem>>, %arg17: memref<8x768xf32, #tpu.memory_space<vmem>>, %arg18: memref<8x768xf32, #tpu.memory_space<vmem>>, %arg19: memref<!tpu.dma_semaphore, #tpu.memory_space<semaphore_mem>>, %arg20: memref<!tpu.dma_semaphore, #tpu.memory_space<semaphore_mem>>, %arg21: memref<!tpu.dma_semaphore, #tpu.memory_space<semaphore_mem>>, %arg22: memref<!tpu.dma_semaphore, #tpu.memory_space<semaphore_mem>>, %arg23: memref<!tpu.dma_semaphore, #tpu.memory_space<semaphore_mem>>, %arg24: memref<!tpu.dma_semaphore, #tpu.memory_space<semaphore_mem>>, %arg25: memref<!tpu.dma_semaphore, #tpu.memory_space<semaphore_mem>>, %arg26: memref<!tpu.dma_semaphore, #tpu.memory_space<semaphore_mem>>, %arg27: memref<!tpu.dma_semaphore, #tpu.memory_space<semaphore_mem>>, %arg28: memref<!tpu.dma_semaphore, #tpu.memory_space<semaphore_mem>>, %arg29: memref<!tpu.dma_semaphore, #tpu.memory_space<semaphore_mem>>, %arg30: memref<!tpu.dma_semaphore, #tpu.memory_space<semaphore_mem>>) attributes {dimension_semantics = [#tpu.dimension_semantics<core_parallel>, #tpu.dimension_semantics<subcore_parallel>], iteration_bounds = array<i64: 2, 16>, scalar_prefetch = 0 : i64, scratch_operands = 25 : i64, tpu.core_type = #tpu.core_type<sc_vector_subcore>, window_params = [{transform_indices = #map}, {transform_indices = #map1}, {transform_indices = #map1}, {transform_indices = #map1}]} {
    %mul3A = arith.constant 2 : i32
    %mul3A_0 = arith.muli %arg1, %mul3A : i32
    %add3A = arith.addi %mul3A_0, %arg0 : i32
    %mul3A_1 = arith.constant 1024 : i32
    %mul3A_2 = arith.muli %add3A, %mul3A_1 : i32
    "tpu.region"() ({
      %run_scoped3A = tpu.sem_alloc : memref<!tpu.dma_semaphore, #tpu.memory_space<semaphore_mem>>
      %dma_start3A_73 = tpu.memref_slice %arg2[%mul3A_2] : memref<32768xi32, #tpu.memory_space<hbm>> -> memref<1024xi32, #tpu.memory_space<hbm>>
      %dma_start3A_74 = tpu.memref_slice %arg2[%mul3A_2] : memref<32768xi32, #tpu.memory_space<hbm>> -> memref<1024xi32, #tpu.memory_space<hbm>>
      tpu.enqueue_dma source(%dma_start3A_74 : memref<1024xi32, #tpu.memory_space<hbm>>) target(%arg6 : memref<1024xi32, #tpu.memory_space<vmem>>) target_semaphore(%run_scoped3A : memref<!tpu.dma_semaphore, #tpu.memory_space<semaphore_mem>>)
      %dma_wait3A_75 = tpu.memref_slice %arg2[%mul3A_2] : memref<32768xi32, #tpu.memory_space<hbm>> -> memref<1024xi32, #tpu.memory_space<hbm>>
      %dma_wait3A_76 = tpu.memref_slice %arg2[%mul3A_2] : memref<32768xi32, #tpu.memory_space<hbm>> -> memref<1024xi32, #tpu.memory_space<hbm>>
      tpu.wait_dma2 semaphore(%run_scoped3A : memref<!tpu.dma_semaphore, #tpu.memory_space<semaphore_mem>>) src(%dma_wait3A_76 : memref<1024xi32, #tpu.memory_space<hbm>>) dst(%arg6 : memref<1024xi32, #tpu.memory_space<vmem>>)
      tpu.yield
    }) : () -> ()
    %dma_start3A = arith.constant 0 : i32
    %dma_start3A_3 = tpu.memref_slice %arg6[%dma_start3A] : memref<1024xi32, #tpu.memory_space<vmem>> -> memref<8xi32, #tpu.memory_space<vmem>>
    %dma_start3A_4 = arith.constant 0 : i32
    %dma_start3A_5 = arith.constant 0 : i32
    %dma_start3A_6 = tpu.memref_slice %arg4[%dma_start3A_4, %dma_start3A_5] : memref<512x768xf32, #tpu.memory_space<hbm>> -> memref<512x768xf32, #tpu.memory_space<hbm>>
    tpu.enqueue_indirect_dma source(%dma_start3A_6 : memref<512x768xf32, #tpu.memory_space<hbm>>) target(%arg7 : memref<8x768xf32, #tpu.memory_space<vmem>>) offsets(%dma_start3A_3 : memref<8xi32, #tpu.memory_space<vmem>>) semaphore(%arg19 : memref<!tpu.dma_semaphore, #tpu.memory_space<semaphore_mem>>)
    %add3A_7 = arith.constant 0 : i32
    %add3A_8 = arith.addi %mul3A_2, %add3A_7 : i32
    %dma_start3A_9 = arith.constant 0 : i32
    %dma_start3A_10 = tpu.memref_slice %arg3[%add3A_8, %dma_start3A_9] : memref<32768x768xf32, #tpu.memory_space<hbm>> -> memref<8x768xf32, #tpu.memory_space<hbm>>
    %dma_start3A_11 = arith.constant 0 : i32
    %dma_start3A_12 = tpu.memref_slice %arg3[%add3A_8, %dma_start3A_11] : memref<32768x768xf32, #tpu.memory_space<hbm>> -> memref<8x768xf32, #tpu.memory_space<hbm>>
    tpu.enqueue_dma source(%dma_start3A_12 : memref<8x768xf32, #tpu.memory_space<hbm>>) target(%arg11 : memref<8x768xf32, #tpu.memory_space<vmem>>) target_semaphore(%arg23 : memref<!tpu.dma_semaphore, #tpu.memory_space<semaphore_mem>>)
    %dma_start3A_13 = arith.constant 8 : i32
    %dma_start3A_14 = tpu.memref_slice %arg6[%dma_start3A_13] : memref<1024xi32, #tpu.memory_space<vmem>> -> memref<8xi32, #tpu.memory_space<vmem>>
    %dma_start3A_15 = arith.constant 0 : i32
    %dma_start3A_16 = arith.constant 0 : i32
    %dma_start3A_17 = tpu.memref_slice %arg4[%dma_start3A_15, %dma_start3A_16] : memref<512x768xf32, #tpu.memory_space<hbm>> -> memref<512x768xf32, #tpu.memory_space<hbm>>
    tpu.enqueue_indirect_dma source(%dma_start3A_17 : memref<512x768xf32, #tpu.memory_space<hbm>>) target(%arg8 : memref<8x768xf32, #tpu.memory_space<vmem>>) offsets(%dma_start3A_14 : memref<8xi32, #tpu.memory_space<vmem>>) semaphore(%arg20 : memref<!tpu.dma_semaphore, #tpu.memory_space<semaphore_mem>>)
    %add3A_18 = arith.constant 8 : i32
    %add3A_19 = arith.addi %mul3A_2, %add3A_18 : i32
    %dma_start3A_20 = arith.constant 0 : i32
    %dma_start3A_21 = tpu.memref_slice %arg3[%add3A_19, %dma_start3A_20] : memref<32768x768xf32, #tpu.memory_space<hbm>> -> memref<8x768xf32, #tpu.memory_space<hbm>>
    %dma_start3A_22 = arith.constant 0 : i32
    %dma_start3A_23 = tpu.memref_slice %arg3[%add3A_19, %dma_start3A_22] : memref<32768x768xf32, #tpu.memory_space<hbm>> -> memref<8x768xf32, #tpu.memory_space<hbm>>
    tpu.enqueue_dma source(%dma_start3A_23 : memref<8x768xf32, #tpu.memory_space<hbm>>) target(%arg12 : memref<8x768xf32, #tpu.memory_space<vmem>>) target_semaphore(%arg24 : memref<!tpu.dma_semaphore, #tpu.memory_space<semaphore_mem>>)
    %dma_start3A_24 = arith.constant 16 : i32
    %dma_start3A_25 = tpu.memref_slice %arg6[%dma_start3A_24] : memref<1024xi32, #tpu.memory_space<vmem>> -> memref<8xi32, #tpu.memory_space<vmem>>
    %dma_start3A_26 = arith.constant 0 : i32
    %dma_start3A_27 = arith.constant 0 : i32
    %dma_start3A_28 = tpu.memref_slice %arg4[%dma_start3A_26, %dma_start3A_27] : memref<512x768xf32, #tpu.memory_space<hbm>> -> memref<512x768xf32, #tpu.memory_space<hbm>>
    tpu.enqueue_indirect_dma source(%dma_start3A_28 : memref<512x768xf32, #tpu.memory_space<hbm>>) target(%arg9 : memref<8x768xf32, #tpu.memory_space<vmem>>) offsets(%dma_start3A_25 : memref<8xi32, #tpu.memory_space<vmem>>) semaphore(%arg21 : memref<!tpu.dma_semaphore, #tpu.memory_space<semaphore_mem>>)
    %add3A_29 = arith.constant 16 : i32
    %add3A_30 = arith.addi %mul3A_2, %add3A_29 : i32
    %dma_start3A_31 = arith.constant 0 : i32
    %dma_start3A_32 = tpu.memref_slice %arg3[%add3A_30, %dma_start3A_31] : memref<32768x768xf32, #tpu.memory_space<hbm>> -> memref<8x768xf32, #tpu.memory_space<hbm>>
    %dma_start3A_33 = arith.constant 0 : i32
    %dma_start3A_34 = tpu.memref_slice %arg3[%add3A_30, %dma_start3A_33] : memref<32768x768xf32, #tpu.memory_space<hbm>> -> memref<8x768xf32, #tpu.memory_space<hbm>>
    tpu.enqueue_dma source(%dma_start3A_34 : memref<8x768xf32, #tpu.memory_space<hbm>>) target(%arg13 : memref<8x768xf32, #tpu.memory_space<vmem>>) target_semaphore(%arg25 : memref<!tpu.dma_semaphore, #tpu.memory_space<semaphore_mem>>)
    %dma_start3A_35 = arith.constant 24 : i32
    %dma_start3A_36 = tpu.memref_slice %arg6[%dma_start3A_35] : memref<1024xi32, #tpu.memory_space<vmem>> -> memref<8xi32, #tpu.memory_space<vmem>>
    %dma_start3A_37 = arith.constant 0 : i32
    %dma_start3A_38 = arith.constant 0 : i32
    %dma_start3A_39 = tpu.memref_slice %arg4[%dma_start3A_37, %dma_start3A_38] : memref<512x768xf32, #tpu.memory_space<hbm>> -> memref<512x768xf32, #tpu.memory_space<hbm>>
    tpu.enqueue_indirect_dma source(%dma_start3A_39 : memref<512x768xf32, #tpu.memory_space<hbm>>) target(%arg10 : memref<8x768xf32, #tpu.memory_space<vmem>>) offsets(%dma_start3A_36 : memref<8xi32, #tpu.memory_space<vmem>>) semaphore(%arg22 : memref<!tpu.dma_semaphore, #tpu.memory_space<semaphore_mem>>)
    %add3A_40 = arith.constant 24 : i32
    %add3A_41 = arith.addi %mul3A_2, %add3A_40 : i32
    %dma_start3A_42 = arith.constant 0 : i32
    %dma_start3A_43 = tpu.memref_slice %arg3[%add3A_41, %dma_start3A_42] : memref<32768x768xf32, #tpu.memory_space<hbm>> -> memref<8x768xf32, #tpu.memory_space<hbm>>
    %dma_start3A_44 = arith.constant 0 : i32
    %dma_start3A_45 = tpu.memref_slice %arg3[%add3A_41, %dma_start3A_44] : memref<32768x768xf32, #tpu.memory_space<hbm>> -> memref<8x768xf32, #tpu.memory_space<hbm>>
    tpu.enqueue_dma source(%dma_start3A_45 : memref<8x768xf32, #tpu.memory_space<hbm>>) target(%arg14 : memref<8x768xf32, #tpu.memory_space<vmem>>) target_semaphore(%arg26 : memref<!tpu.dma_semaphore, #tpu.memory_space<semaphore_mem>>)
    %scan3A = arith.constant 0 : i32
    %scan3A_46 = arith.constant 32 : i32
    %scan3A_47 = arith.addi %scan3A, %scan3A_46 : i32
    %scan3A_48 = arith.constant 1 : i32
    scf.for %scan3A_73 = %scan3A to %scan3A_47 step %scan3A_48  : i32 {
      %mul3A_74 = arith.constant 4 : i32
      %mul3A_75 = arith.muli %scan3A_73, %mul3A_74 : i32
      %add3A_76 = arith.constant 0 : i32
      %add3A_77 = arith.addi %add3A_76, %mul3A_75 : i32
      %add3A_78 = arith.constant 0 : i32
      %add3A_79 = arith.addi %add3A_77, %add3A_78 : i32
      %mul3A_80 = arith.constant 8 : i32
      %mul3A_81 = arith.muli %add3A_79, %mul3A_80 : i32
      %dma_wait3A_82 = tpu.memref_slice %arg6[%mul3A_81] : memref<1024xi32, #tpu.memory_space<vmem>> -> memref<8xi32, #tpu.memory_space<vmem>>
      %dma_wait3A_83 = arith.constant 0 : i32
      %dma_wait3A_84 = arith.constant 0 : i32
      %dma_wait3A_85 = tpu.memref_slice %arg4[%dma_wait3A_83, %dma_wait3A_84] : memref<512x768xf32, #tpu.memory_space<hbm>> -> memref<512x768xf32, #tpu.memory_space<hbm>>
      tpu.wait_indirect_dma semaphore(%arg19 : memref<!tpu.dma_semaphore, #tpu.memory_space<semaphore_mem>>) src(%dma_wait3A_85 : memref<512x768xf32, #tpu.memory_space<hbm>>) dst(%arg7 : memref<8x768xf32, #tpu.memory_space<vmem>>)
      %mul3A_86 = arith.constant 8 : i32
      %mul3A_87 = arith.muli %add3A_79, %mul3A_86 : i32
      %add3A_88 = arith.addi %mul3A_2, %mul3A_87 : i32
      %dma_wait3A_89 = arith.constant 0 : i32
      %dma_wait3A_90 = tpu.memref_slice %arg3[%add3A_88, %dma_wait3A_89] : memref<32768x768xf32, #tpu.memory_space<hbm>> -> memref<8x768xf32, #tpu.memory_space<hbm>>
      %dma_wait3A_91 = arith.constant 0 : i32
      %dma_wait3A_92 = tpu.memref_slice %arg3[%add3A_88, %dma_wait3A_91] : memref<32768x768xf32, #tpu.memory_space<hbm>> -> memref<8x768xf32, #tpu.memory_space<hbm>>
      tpu.wait_dma2 semaphore(%arg23 : memref<!tpu.dma_semaphore, #tpu.memory_space<semaphore_mem>>) src(%dma_wait3A_92 : memref<8x768xf32, #tpu.memory_space<hbm>>) dst(%arg11 : memref<8x768xf32, #tpu.memory_space<vmem>>)
      %gt3A = arith.constant 0 : i32
      %gt3A_93 = arith.cmpi sgt, %add3A_77, %gt3A : i32
      %convert_element_type3A = arith.extui %gt3A_93 : i1 to i32
      %cond3A = arith.constant 0 : i32
      %cond3A_94 = arith.cmpi ne, %convert_element_type3A, %cond3A : i32
      scf.if %cond3A_94 {
        %sub3A = arith.constant 4 : i32
        %sub3A_230 = arith.subi %add3A_79, %sub3A : i32
        %mul3A_231 = arith.constant 8 : i32
        %mul3A_232 = arith.muli %sub3A_230, %mul3A_231 : i32
        %add3A_233 = arith.addi %mul3A_2, %mul3A_232 : i32
        %dma_wait3A_234 = arith.constant 0 : i32
        %dma_wait3A_235 = tpu.memref_slice %arg5[%add3A_233, %dma_wait3A_234] : memref<32768x768xf32, #tpu.memory_space<hbm>> -> memref<8x768xf32, #tpu.memory_space<hbm>>
        %dma_wait3A_236 = arith.constant 0 : i32
        %dma_wait3A_237 = tpu.memref_slice %arg5[%add3A_233, %dma_wait3A_236] : memref<32768x768xf32, #tpu.memory_space<hbm>> -> memref<8x768xf32, #tpu.memory_space<hbm>>
        tpu.wait_dma2 semaphore(%arg27 : memref<!tpu.dma_semaphore, #tpu.memory_space<semaphore_mem>>) src(%arg15 : memref<8x768xf32, #tpu.memory_space<vmem>>) dst(%dma_wait3A_237 : memref<8x768xf32, #tpu.memory_space<hbm>>)
      } else {
      }
      %scan3A_95 = arith.constant 0 : i32
      %scan3A_96 = arith.constant 8 : i32
      %scan3A_97 = arith.addi %scan3A_95, %scan3A_96 : i32
      %scan3A_98 = arith.constant 1 : i32
      scf.for %scan3A_230 = %scan3A_95 to %scan3A_97 step %scan3A_98  : i32 {
        %mul3A_231 = arith.constant 1 : i32
        %mul3A_232 = arith.muli %scan3A_230, %mul3A_231 : i32
        %add3A_233 = arith.constant 0 : i32
        %add3A_234 = arith.addi %add3A_233, %mul3A_232 : i32
        %parallel_loop3A = arith.constant 0 : i32
        %parallel_loop3A_235 = arith.constant 768 : i32
        %parallel_loop3A_236 = arith.constant 16 : i32
        scf.for %parallel_loop3A_237 = %parallel_loop3A to %parallel_loop3A_235 step %parallel_loop3A_236  : i32 {
          %parallel_loop3A_238 = arith.index_cast %add3A_234 : i32 to index
          %parallel_loop3A_239 = arith.index_cast %parallel_loop3A_237 : i32 to index
          %parallel_loop3A_240 = tpu.vector_load %arg11[%parallel_loop3A_238, %parallel_loop3A_239] {strides = array<i32>} : memref<8x768xf32, #tpu.memory_space<vmem>>, vector<1x16xf32>,
          %parallel_loop3A_241 = vector.shape_cast %parallel_loop3A_240 : vector<1x16xf32> to vector<1x16xf32>
          %parallel_loop3A_242 = arith.index_cast %add3A_234 : i32 to index
          %parallel_loop3A_243 = arith.index_cast %parallel_loop3A_237 : i32 to index
          %parallel_loop3A_244 = tpu.vector_load %arg7[%parallel_loop3A_242, %parallel_loop3A_243] {strides = array<i32>} : memref<8x768xf32, #tpu.memory_space<vmem>>, vector<1x16xf32>,
          %parallel_loop3A_245 = vector.shape_cast %parallel_loop3A_244 : vector<1x16xf32> to vector<1x16xf32>
          %parallel_loop3A_246 = arith.addf %parallel_loop3A_241, %parallel_loop3A_245 : vector<1x16xf32>
          %parallel_loop3A_247 = arith.index_cast %add3A_234 : i32 to index
          %parallel_loop3A_248 = arith.index_cast %parallel_loop3A_237 : i32 to index
          %parallel_loop3A_249 = tpu.vector_load %arg15[%parallel_loop3A_247, %parallel_loop3A_248] {strides = array<i32>} : memref<8x768xf32, #tpu.memory_space<vmem>>, vector<1x16xf32>,
          %parallel_loop3A_250 = vector.shape_cast %parallel_loop3A_249 : vector<1x16xf32> to vector<1x16xf32>
          %parallel_loop3A_251 = vector.shape_cast %parallel_loop3A_246 : vector<1x16xf32> to vector<1x16xf32>
          tpu.vector_store %arg15[%parallel_loop3A_247, %parallel_loop3A_248], %parallel_loop3A_251 {strides = array<i32>} : memref<8x768xf32, #tpu.memory_space<vmem>>, vector<1x16xf32>,
        } {sc.loop_unroll_factor = 16 : i64, sc.parallel_access}
      }
      %scan3A_99 = arith.constant 8 : i32
      %mul3A_100 = arith.constant 8 : i32
      %mul3A_101 = arith.muli %add3A_79, %mul3A_100 : i32
      %add3A_102 = arith.addi %mul3A_2, %mul3A_101 : i32
      %dma_start3A_103 = arith.constant 0 : i32
      %dma_start3A_104 = tpu.memref_slice %arg5[%add3A_102, %dma_start3A_103] : memref<32768x768xf32, #tpu.memory_space<hbm>> -> memref<8x768xf32, #tpu.memory_space<hbm>>
      %dma_start3A_105 = arith.constant 0 : i32
      %dma_start3A_106 = tpu.memref_slice %arg5[%add3A_102, %dma_start3A_105] : memref<32768x768xf32, #tpu.memory_space<hbm>> -> memref<8x768xf32, #tpu.memory_space<hbm>>
      tpu.enqueue_dma source(%arg15 : memref<8x768xf32, #tpu.memory_space<vmem>>) target(%dma_start3A_106 : memref<8x768xf32, #tpu.memory_space<hbm>>) target_semaphore(%arg27 : memref<!tpu.dma_semaphore, #tpu.memory_space<semaphore_mem>>)
      %add3A_107 = arith.constant 4 : i32
      %add3A_108 = arith.addi %add3A_79, %add3A_107 : i32
      %lt3A = arith.constant 128 : i32
      %lt3A_109 = arith.cmpi slt, %add3A_108, %lt3A : i32
      %convert_element_type3A_110 = arith.extui %lt3A_109 : i1 to i32
      %cond3A_111 = arith.constant 0 : i32
      %cond3A_112 = arith.cmpi ne, %convert_element_type3A_110, %cond3A_111 : i32
      scf.if %cond3A_112 {
        %add3A_230 = arith.constant 4 : i32
        %add3A_231 = arith.addi %add3A_79, %add3A_230 : i32
        %mul3A_232 = arith.constant 8 : i32
        %mul3A_233 = arith.muli %add3A_231, %mul3A_232 : i32
        %dma_start3A_234 = tpu.memref_slice %arg6[%mul3A_233] : memref<1024xi32, #tpu.memory_space<vmem>> -> memref<8xi32, #tpu.memory_space<vmem>>
        %dma_start3A_235 = arith.constant 0 : i32
        %dma_start3A_236 = arith.constant 0 : i32
        %dma_start3A_237 = tpu.memref_slice %arg4[%dma_start3A_235, %dma_start3A_236] : memref<512x768xf32, #tpu.memory_space<hbm>> -> memref<512x768xf32, #tpu.memory_space<hbm>>
        tpu.enqueue_indirect_dma source(%dma_start3A_237 : memref<512x768xf32, #tpu.memory_space<hbm>>) target(%arg7 : memref<8x768xf32, #tpu.memory_space<vmem>>) offsets(%dma_start3A_234 : memref<8xi32, #tpu.memory_space<vmem>>) semaphore(%arg19 : memref<!tpu.dma_semaphore, #tpu.memory_space<semaphore_mem>>)
        %mul3A_238 = arith.constant 8 : i32
        %mul3A_239 = arith.muli %add3A_231, %mul3A_238 : i32
        %add3A_240 = arith.addi %mul3A_2, %mul3A_239 : i32
        %dma_start3A_241 = arith.constant 0 : i32
        %dma_start3A_242 = tpu.memref_slice %arg3[%add3A_240, %dma_start3A_241] : memref<32768x768xf32, #tpu.memory_space<hbm>> -> memref<8x768xf32, #tpu.memory_space<hbm>>
        %dma_start3A_243 = arith.constant 0 : i32
        %dma_start3A_244 = tpu.memref_slice %arg3[%add3A_240, %dma_start3A_243] : memref<32768x768xf32, #tpu.memory_space<hbm>> -> memref<8x768xf32, #tpu.memory_space<hbm>>
        tpu.enqueue_dma source(%dma_start3A_244 : memref<8x768xf32, #tpu.memory_space<hbm>>) target(%arg11 : memref<8x768xf32, #tpu.memory_space<vmem>>) target_semaphore(%arg23 : memref<!tpu.dma_semaphore, #tpu.memory_space<semaphore_mem>>)
      } else {
      }
      %add3A_113 = arith.constant 1 : i32
      %add3A_114 = arith.addi %add3A_77, %add3A_113 : i32
      %mul3A_115 = arith.constant 8 : i32
      %mul3A_116 = arith.muli %add3A_114, %mul3A_115 : i32
      %dma_wait3A_117 = tpu.memref_slice %arg6[%mul3A_116] : memref<1024xi32, #tpu.memory_space<vmem>> -> memref<8xi32, #tpu.memory_space<vmem>>
      %dma_wait3A_118 = arith.constant 0 : i32
      %dma_wait3A_119 = arith.constant 0 : i32
      %dma_wait3A_120 = tpu.memref_slice %arg4[%dma_wait3A_118, %dma_wait3A_119] : memref<512x768xf32, #tpu.memory_space<hbm>> -> memref<512x768xf32, #tpu.memory_space<hbm>>
      tpu.wait_indirect_dma semaphore(%arg20 : memref<!tpu.dma_semaphore, #tpu.memory_space<semaphore_mem>>) src(%dma_wait3A_120 : memref<512x768xf32, #tpu.memory_space<hbm>>) dst(%arg8 : memref<8x768xf32, #tpu.memory_space<vmem>>)
      %mul3A_121 = arith.constant 8 : i32
      %mul3A_122 = arith.muli %add3A_114, %mul3A_121 : i32
      %add3A_123 = arith.addi %mul3A_2, %mul3A_122 : i32
      %dma_wait3A_124 = arith.constant 0 : i32
      %dma_wait3A_125 = tpu.memref_slice %arg3[%add3A_123, %dma_wait3A_124] : memref<32768x768xf32, #tpu.memory_space<hbm>> -> memref<8x768xf32, #tpu.memory_space<hbm>>
      %dma_wait3A_126 = arith.constant 0 : i32
      %dma_wait3A_127 = tpu.memref_slice %arg3[%add3A_123, %dma_wait3A_126] : memref<32768x768xf32, #tpu.memory_space<hbm>> -> memref<8x768xf32, #tpu.memory_space<hbm>>
      tpu.wait_dma2 semaphore(%arg24 : memref<!tpu.dma_semaphore, #tpu.memory_space<semaphore_mem>>) src(%dma_wait3A_127 : memref<8x768xf32, #tpu.memory_space<hbm>>) dst(%arg12 : memref<8x768xf32, #tpu.memory_space<vmem>>)
      %gt3A_128 = arith.constant 0 : i32
      %gt3A_129 = arith.cmpi sgt, %add3A_77, %gt3A_128 : i32
      %convert_element_type3A_130 = arith.extui %gt3A_129 : i1 to i32
      %cond3A_131 = arith.constant 0 : i32
      %cond3A_132 = arith.cmpi ne, %convert_element_type3A_130, %cond3A_131 : i32
      scf.if %cond3A_132 {
        %sub3A = arith.constant 4 : i32
        %sub3A_230 = arith.subi %add3A_114, %sub3A : i32
        %mul3A_231 = arith.constant 8 : i32
        %mul3A_232 = arith.muli %sub3A_230, %mul3A_231 : i32
        %add3A_233 = arith.addi %mul3A_2, %mul3A_232 : i32
        %dma_wait3A_234 = arith.constant 0 : i32
        %dma_wait3A_235 = tpu.memref_slice %arg5[%add3A_233, %dma_wait3A_234] : memref<32768x768xf32, #tpu.memory_space<hbm>> -> memref<8x768xf32, #tpu.memory_space<hbm>>
        %dma_wait3A_236 = arith.constant 0 : i32
        %dma_wait3A_237 = tpu.memref_slice %arg5[%add3A_233, %dma_wait3A_236] : memref<32768x768xf32, #tpu.memory_space<hbm>> -> memref<8x768xf32, #tpu.memory_space<hbm>>
        tpu.wait_dma2 semaphore(%arg28 : memref<!tpu.dma_semaphore, #tpu.memory_space<semaphore_mem>>) src(%arg16 : memref<8x768xf32, #tpu.memory_space<vmem>>) dst(%dma_wait3A_237 : memref<8x768xf32, #tpu.memory_space<hbm>>)
      } else {
      }
      %scan3A_133 = arith.constant 0 : i32
      %scan3A_134 = arith.constant 8 : i32
      %scan3A_135 = arith.addi %scan3A_133, %scan3A_134 : i32
      %scan3A_136 = arith.constant 1 : i32
      scf.for %scan3A_230 = %scan3A_133 to %scan3A_135 step %scan3A_136  : i32 {
        %mul3A_231 = arith.constant 1 : i32
        %mul3A_232 = arith.muli %scan3A_230, %mul3A_231 : i32
        %add3A_233 = arith.constant 0 : i32
        %add3A_234 = arith.addi %add3A_233, %mul3A_232 : i32
        %parallel_loop3A = arith.constant 0 : i32
        %parallel_loop3A_235 = arith.constant 768 : i32
        %parallel_loop3A_236 = arith.constant 16 : i32
        scf.for %parallel_loop3A_237 = %parallel_loop3A to %parallel_loop3A_235 step %parallel_loop3A_236  : i32 {
          %parallel_loop3A_238 = arith.index_cast %add3A_234 : i32 to index
          %parallel_loop3A_239 = arith.index_cast %parallel_loop3A_237 : i32 to index
          %parallel_loop3A_240 = tpu.vector_load %arg12[%parallel_loop3A_238, %parallel_loop3A_239] {strides = array<i32>} : memref<8x768xf32, #tpu.memory_space<vmem>>, vector<1x16xf32>,
          %parallel_loop3A_241 = vector.shape_cast %parallel_loop3A_240 : vector<1x16xf32> to vector<1x16xf32>
          %parallel_loop3A_242 = arith.index_cast %add3A_234 : i32 to index
          %parallel_loop3A_243 = arith.index_cast %parallel_loop3A_237 : i32 to index
          %parallel_loop3A_244 = tpu.vector_load %arg8[%parallel_loop3A_242, %parallel_loop3A_243] {strides = array<i32>} : memref<8x768xf32, #tpu.memory_space<vmem>>, vector<1x16xf32>,
          %parallel_loop3A_245 = vector.shape_cast %parallel_loop3A_244 : vector<1x16xf32> to vector<1x16xf32>
          %parallel_loop3A_246 = arith.addf %parallel_loop3A_241, %parallel_loop3A_245 : vector<1x16xf32>
          %parallel_loop3A_247 = arith.index_cast %add3A_234 : i32 to index
          %parallel_loop3A_248 = arith.index_cast %parallel_loop3A_237 : i32 to index
          %parallel_loop3A_249 = tpu.vector_load %arg16[%parallel_loop3A_247, %parallel_loop3A_248] {strides = array<i32>} : memref<8x768xf32, #tpu.memory_space<vmem>>, vector<1x16xf32>,
          %parallel_loop3A_250 = vector.shape_cast %parallel_loop3A_249 : vector<1x16xf32> to vector<1x16xf32>
          %parallel_loop3A_251 = vector.shape_cast %parallel_loop3A_246 : vector<1x16xf32> to vector<1x16xf32>
          tpu.vector_store %arg16[%parallel_loop3A_247, %parallel_loop3A_248], %parallel_loop3A_251 {strides = array<i32>} : memref<8x768xf32, #tpu.memory_space<vmem>>, vector<1x16xf32>,
        } {sc.loop_unroll_factor = 16 : i64, sc.parallel_access}
      }
      %scan3A_137 = arith.constant 8 : i32
      %mul3A_138 = arith.constant 8 : i32
      %mul3A_139 = arith.muli %add3A_114, %mul3A_138 : i32
      %add3A_140 = arith.addi %mul3A_2, %mul3A_139 : i32
      %dma_start3A_141 = arith.constant 0 : i32
      %dma_start3A_142 = tpu.memref_slice %arg5[%add3A_140, %dma_start3A_141] : memref<32768x768xf32, #tpu.memory_space<hbm>> -> memref<8x768xf32, #tpu.memory_space<hbm>>
      %dma_start3A_143 = arith.constant 0 : i32
      %dma_start3A_144 = tpu.memref_slice %arg5[%add3A_140, %dma_start3A_143] : memref<32768x768xf32, #tpu.memory_space<hbm>> -> memref<8x768xf32, #tpu.memory_space<hbm>>
      tpu.enqueue_dma source(%arg16 : memref<8x768xf32, #tpu.memory_space<vmem>>) target(%dma_start3A_144 : memref<8x768xf32, #tpu.memory_space<hbm>>) target_semaphore(%arg28 : memref<!tpu.dma_semaphore, #tpu.memory_space<semaphore_mem>>)
      %add3A_145 = arith.constant 4 : i32
      %add3A_146 = arith.addi %add3A_114, %add3A_145 : i32
      %lt3A_147 = arith.constant 128 : i32
      %lt3A_148 = arith.cmpi slt, %add3A_146, %lt3A_147 : i32
      %convert_element_type3A_149 = arith.extui %lt3A_148 : i1 to i32
      %cond3A_150 = arith.constant 0 : i32
      %cond3A_151 = arith.cmpi ne, %convert_element_type3A_149, %cond3A_150 : i32
      scf.if %cond3A_151 {
        %add3A_230 = arith.constant 4 : i32
        %add3A_231 = arith.addi %add3A_114, %add3A_230 : i32
        %mul3A_232 = arith.constant 8 : i32
        %mul3A_233 = arith.muli %add3A_231, %mul3A_232 : i32
        %dma_start3A_234 = tpu.memref_slice %arg6[%mul3A_233] : memref<1024xi32, #tpu.memory_space<vmem>> -> memref<8xi32, #tpu.memory_space<vmem>>
        %dma_start3A_235 = arith.constant 0 : i32
        %dma_start3A_236 = arith.constant 0 : i32
        %dma_start3A_237 = tpu.memref_slice %arg4[%dma_start3A_235, %dma_start3A_236] : memref<512x768xf32, #tpu.memory_space<hbm>> -> memref<512x768xf32, #tpu.memory_space<hbm>>
        tpu.enqueue_indirect_dma source(%dma_start3A_237 : memref<512x768xf32, #tpu.memory_space<hbm>>) target(%arg8 : memref<8x768xf32, #tpu.memory_space<vmem>>) offsets(%dma_start3A_234 : memref<8xi32, #tpu.memory_space<vmem>>) semaphore(%arg20 : memref<!tpu.dma_semaphore, #tpu.memory_space<semaphore_mem>>)
        %mul3A_238 = arith.constant 8 : i32
        %mul3A_239 = arith.muli %add3A_231, %mul3A_238 : i32
        %add3A_240 = arith.addi %mul3A_2, %mul3A_239 : i32
        %dma_start3A_241 = arith.constant 0 : i32
        %dma_start3A_242 = tpu.memref_slice %arg3[%add3A_240, %dma_start3A_241] : memref<32768x768xf32, #tpu.memory_space<hbm>> -> memref<8x768xf32, #tpu.memory_space<hbm>>
        %dma_start3A_243 = arith.constant 0 : i32
        %dma_start3A_244 = tpu.memref_slice %arg3[%add3A_240, %dma_start3A_243] : memref<32768x768xf32, #tpu.memory_space<hbm>> -> memref<8x768xf32, #tpu.memory_space<hbm>>
        tpu.enqueue_dma source(%dma_start3A_244 : memref<8x768xf32, #tpu.memory_space<hbm>>) target(%arg12 : memref<8x768xf32, #tpu.memory_space<vmem>>) target_semaphore(%arg24 : memref<!tpu.dma_semaphore, #tpu.memory_space<semaphore_mem>>)
      } else {
      }
      %add3A_152 = arith.constant 2 : i32
      %add3A_153 = arith.addi %add3A_77, %add3A_152 : i32
      %mul3A_154 = arith.constant 8 : i32
      %mul3A_155 = arith.muli %add3A_153, %mul3A_154 : i32
      %dma_wait3A_156 = tpu.memref_slice %arg6[%mul3A_155] : memref<1024xi32, #tpu.memory_space<vmem>> -> memref<8xi32, #tpu.memory_space<vmem>>
      %dma_wait3A_157 = arith.constant 0 : i32
      %dma_wait3A_158 = arith.constant 0 : i32
      %dma_wait3A_159 = tpu.memref_slice %arg4[%dma_wait3A_157, %dma_wait3A_158] : memref<512x768xf32, #tpu.memory_space<hbm>> -> memref<512x768xf32, #tpu.memory_space<hbm>>
      tpu.wait_indirect_dma semaphore(%arg21 : memref<!tpu.dma_semaphore, #tpu.memory_space<semaphore_mem>>) src(%dma_wait3A_159 : memref<512x768xf32, #tpu.memory_space<hbm>>) dst(%arg9 : memref<8x768xf32, #tpu.memory_space<vmem>>)
      %mul3A_160 = arith.constant 8 : i32
      %mul3A_161 = arith.muli %add3A_153, %mul3A_160 : i32
      %add3A_162 = arith.addi %mul3A_2, %mul3A_161 : i32
      %dma_wait3A_163 = arith.constant 0 : i32
      %dma_wait3A_164 = tpu.memref_slice %arg3[%add3A_162, %dma_wait3A_163] : memref<32768x768xf32, #tpu.memory_space<hbm>> -> memref<8x768xf32, #tpu.memory_space<hbm>>
      %dma_wait3A_165 = arith.constant 0 : i32
      %dma_wait3A_166 = tpu.memref_slice %arg3[%add3A_162, %dma_wait3A_165] : memref<32768x768xf32, #tpu.memory_space<hbm>> -> memref<8x768xf32, #tpu.memory_space<hbm>>
      tpu.wait_dma2 semaphore(%arg25 : memref<!tpu.dma_semaphore, #tpu.memory_space<semaphore_mem>>) src(%dma_wait3A_166 : memref<8x768xf32, #tpu.memory_space<hbm>>) dst(%arg13 : memref<8x768xf32, #tpu.memory_space<vmem>>)
      %gt3A_167 = arith.constant 0 : i32
      %gt3A_168 = arith.cmpi sgt, %add3A_77, %gt3A_167 : i32
      %convert_element_type3A_169 = arith.extui %gt3A_168 : i1 to i32
      %cond3A_170 = arith.constant 0 : i32
      %cond3A_171 = arith.cmpi ne, %convert_element_type3A_169, %cond3A_170 : i32
      scf.if %cond3A_171 {
        %sub3A = arith.constant 4 : i32
        %sub3A_230 = arith.subi %add3A_153, %sub3A : i32
        %mul3A_231 = arith.constant 8 : i32
        %mul3A_232 = arith.muli %sub3A_230, %mul3A_231 : i32
        %add3A_233 = arith.addi %mul3A_2, %mul3A_232 : i32
        %dma_wait3A_234 = arith.constant 0 : i32
        %dma_wait3A_235 = tpu.memref_slice %arg5[%add3A_233, %dma_wait3A_234] : memref<32768x768xf32, #tpu.memory_space<hbm>> -> memref<8x768xf32, #tpu.memory_space<hbm>>
        %dma_wait3A_236 = arith.constant 0 : i32
        %dma_wait3A_237 = tpu.memref_slice %arg5[%add3A_233, %dma_wait3A_236] : memref<32768x768xf32, #tpu.memory_space<hbm>> -> memref<8x768xf32, #tpu.memory_space<hbm>>
        tpu.wait_dma2 semaphore(%arg29 : memref<!tpu.dma_semaphore, #tpu.memory_space<semaphore_mem>>) src(%arg17 : memref<8x768xf32, #tpu.memory_space<vmem>>) dst(%dma_wait3A_237 : memref<8x768xf32, #tpu.memory_space<hbm>>)
      } else {
      }
      %scan3A_172 = arith.constant 0 : i32
      %scan3A_173 = arith.constant 8 : i32
      %scan3A_174 = arith.addi %scan3A_172, %scan3A_173 : i32
      %scan3A_175 = arith.constant 1 : i32
      scf.for %scan3A_230 = %scan3A_172 to %scan3A_174 step %scan3A_175  : i32 {
        %mul3A_231 = arith.constant 1 : i32
        %mul3A_232 = arith.muli %scan3A_230, %mul3A_231 : i32
        %add3A_233 = arith.constant 0 : i32
        %add3A_234 = arith.addi %add3A_233, %mul3A_232 : i32
        %parallel_loop3A = arith.constant 0 : i32
        %parallel_loop3A_235 = arith.constant 768 : i32
        %parallel_loop3A_236 = arith.constant 16 : i32
        scf.for %parallel_loop3A_237 = %parallel_loop3A to %parallel_loop3A_235 step %parallel_loop3A_236  : i32 {
          %parallel_loop3A_238 = arith.index_cast %add3A_234 : i32 to index
          %parallel_loop3A_239 = arith.index_cast %parallel_loop3A_237 : i32 to index
          %parallel_loop3A_240 = tpu.vector_load %arg13[%parallel_loop3A_238, %parallel_loop3A_239] {strides = array<i32>} : memref<8x768xf32, #tpu.memory_space<vmem>>, vector<1x16xf32>,
          %parallel_loop3A_241 = vector.shape_cast %parallel_loop3A_240 : vector<1x16xf32> to vector<1x16xf32>
          %parallel_loop3A_242 = arith.index_cast %add3A_234 : i32 to index
          %parallel_loop3A_243 = arith.index_cast %parallel_loop3A_237 : i32 to index
          %parallel_loop3A_244 = tpu.vector_load %arg9[%parallel_loop3A_242, %parallel_loop3A_243] {strides = array<i32>} : memref<8x768xf32, #tpu.memory_space<vmem>>, vector<1x16xf32>,
          %parallel_loop3A_245 = vector.shape_cast %parallel_loop3A_244 : vector<1x16xf32> to vector<1x16xf32>
          %parallel_loop3A_246 = arith.addf %parallel_loop3A_241, %parallel_loop3A_245 : vector<1x16xf32>
          %parallel_loop3A_247 = arith.index_cast %add3A_234 : i32 to index
          %parallel_loop3A_248 = arith.index_cast %parallel_loop3A_237 : i32 to index
          %parallel_loop3A_249 = tpu.vector_load %arg17[%parallel_loop3A_247, %parallel_loop3A_248] {strides = array<i32>} : memref<8x768xf32, #tpu.memory_space<vmem>>, vector<1x16xf32>,
          %parallel_loop3A_250 = vector.shape_cast %parallel_loop3A_249 : vector<1x16xf32> to vector<1x16xf32>
          %parallel_loop3A_251 = vector.shape_cast %parallel_loop3A_246 : vector<1x16xf32> to vector<1x16xf32>
          tpu.vector_store %arg17[%parallel_loop3A_247, %parallel_loop3A_248], %parallel_loop3A_251 {strides = array<i32>} : memref<8x768xf32, #tpu.memory_space<vmem>>, vector<1x16xf32>,
        } {sc.loop_unroll_factor = 16 : i64, sc.parallel_access}
      }
      %scan3A_176 = arith.constant 8 : i32
      %mul3A_177 = arith.constant 8 : i32
      %mul3A_178 = arith.muli %add3A_153, %mul3A_177 : i32
      %add3A_179 = arith.addi %mul3A_2, %mul3A_178 : i32
      %dma_start3A_180 = arith.constant 0 : i32
      %dma_start3A_181 = tpu.memref_slice %arg5[%add3A_179, %dma_start3A_180] : memref<32768x768xf32, #tpu.memory_space<hbm>> -> memref<8x768xf32, #tpu.memory_space<hbm>>
      %dma_start3A_182 = arith.constant 0 : i32
      %dma_start3A_183 = tpu.memref_slice %arg5[%add3A_179, %dma_start3A_182] : memref<32768x768xf32, #tpu.memory_space<hbm>> -> memref<8x768xf32, #tpu.memory_space<hbm>>
      tpu.enqueue_dma source(%arg17 : memref<8x768xf32, #tpu.memory_space<vmem>>) target(%dma_start3A_183 : memref<8x768xf32, #tpu.memory_space<hbm>>) target_semaphore(%arg29 : memref<!tpu.dma_semaphore, #tpu.memory_space<semaphore_mem>>)
      %add3A_184 = arith.constant 4 : i32
      %add3A_185 = arith.addi %add3A_153, %add3A_184 : i32
      %lt3A_186 = arith.constant 128 : i32
      %lt3A_187 = arith.cmpi slt, %add3A_185, %lt3A_186 : i32
      %convert_element_type3A_188 = arith.extui %lt3A_187 : i1 to i32
      %cond3A_189 = arith.constant 0 : i32
      %cond3A_190 = arith.cmpi ne, %convert_element_type3A_188, %cond3A_189 : i32
      scf.if %cond3A_190 {
        %add3A_230 = arith.constant 4 : i32
        %add3A_231 = arith.addi %add3A_153, %add3A_230 : i32
        %mul3A_232 = arith.constant 8 : i32
        %mul3A_233 = arith.muli %add3A_231, %mul3A_232 : i32
        %dma_start3A_234 = tpu.memref_slice %arg6[%mul3A_233] : memref<1024xi32, #tpu.memory_space<vmem>> -> memref<8xi32, #tpu.memory_space<vmem>>
        %dma_start3A_235 = arith.constant 0 : i32
        %dma_start3A_236 = arith.constant 0 : i32
        %dma_start3A_237 = tpu.memref_slice %arg4[%dma_start3A_235, %dma_start3A_236] : memref<512x768xf32, #tpu.memory_space<hbm>> -> memref<512x768xf32, #tpu.memory_space<hbm>>
        tpu.enqueue_indirect_dma source(%dma_start3A_237 : memref<512x768xf32, #tpu.memory_space<hbm>>) target(%arg9 : memref<8x768xf32, #tpu.memory_space<vmem>>) offsets(%dma_start3A_234 : memref<8xi32, #tpu.memory_space<vmem>>) semaphore(%arg21 : memref<!tpu.dma_semaphore, #tpu.memory_space<semaphore_mem>>)
        %mul3A_238 = arith.constant 8 : i32
        %mul3A_239 = arith.muli %add3A_231, %mul3A_238 : i32
        %add3A_240 = arith.addi %mul3A_2, %mul3A_239 : i32
        %dma_start3A_241 = arith.constant 0 : i32
        %dma_start3A_242 = tpu.memref_slice %arg3[%add3A_240, %dma_start3A_241] : memref<32768x768xf32, #tpu.memory_space<hbm>> -> memref<8x768xf32, #tpu.memory_space<hbm>>
        %dma_start3A_243 = arith.constant 0 : i32
        %dma_start3A_244 = tpu.memref_slice %arg3[%add3A_240, %dma_start3A_243] : memref<32768x768xf32, #tpu.memory_space<hbm>> -> memref<8x768xf32, #tpu.memory_space<hbm>>
        tpu.enqueue_dma source(%dma_start3A_244 : memref<8x768xf32, #tpu.memory_space<hbm>>) target(%arg13 : memref<8x768xf32, #tpu.memory_space<vmem>>) target_semaphore(%arg25 : memref<!tpu.dma_semaphore, #tpu.memory_space<semaphore_mem>>)
      } else {
      }
      %add3A_191 = arith.constant 3 : i32
      %add3A_192 = arith.addi %add3A_77, %add3A_191 : i32
      %mul3A_193 = arith.constant 8 : i32
      %mul3A_194 = arith.muli %add3A_192, %mul3A_193 : i32
      %dma_wait3A_195 = tpu.memref_slice %arg6[%mul3A_194] : memref<1024xi32, #tpu.memory_space<vmem>> -> memref<8xi32, #tpu.memory_space<vmem>>
      %dma_wait3A_196 = arith.constant 0 : i32
      %dma_wait3A_197 = arith.constant 0 : i32
      %dma_wait3A_198 = tpu.memref_slice %arg4[%dma_wait3A_196, %dma_wait3A_197] : memref<512x768xf32, #tpu.memory_space<hbm>> -> memref<512x768xf32, #tpu.memory_space<hbm>>
      tpu.wait_indirect_dma semaphore(%arg22 : memref<!tpu.dma_semaphore, #tpu.memory_space<semaphore_mem>>) src(%dma_wait3A_198 : memref<512x768xf32, #tpu.memory_space<hbm>>) dst(%arg10 : memref<8x768xf32, #tpu.memory_space<vmem>>)
      %mul3A_199 = arith.constant 8 : i32
      %mul3A_200 = arith.muli %add3A_192, %mul3A_199 : i32
      %add3A_201 = arith.addi %mul3A_2, %mul3A_200 : i32
      %dma_wait3A_202 = arith.constant 0 : i32
      %dma_wait3A_203 = tpu.memref_slice %arg3[%add3A_201, %dma_wait3A_202] : memref<32768x768xf32, #tpu.memory_space<hbm>> -> memref<8x768xf32, #tpu.memory_space<hbm>>
      %dma_wait3A_204 = arith.constant 0 : i32
      %dma_wait3A_205 = tpu.memref_slice %arg3[%add3A_201, %dma_wait3A_204] : memref<32768x768xf32, #tpu.memory_space<hbm>> -> memref<8x768xf32, #tpu.memory_space<hbm>>
      tpu.wait_dma2 semaphore(%arg26 : memref<!tpu.dma_semaphore, #tpu.memory_space<semaphore_mem>>) src(%dma_wait3A_205 : memref<8x768xf32, #tpu.memory_space<hbm>>) dst(%arg14 : memref<8x768xf32, #tpu.memory_space<vmem>>)
      %gt3A_206 = arith.constant 0 : i32
      %gt3A_207 = arith.cmpi sgt, %add3A_77, %gt3A_206 : i32
      %convert_element_type3A_208 = arith.extui %gt3A_207 : i1 to i32
      %cond3A_209 = arith.constant 0 : i32
      %cond3A_210 = arith.cmpi ne, %convert_element_type3A_208, %cond3A_209 : i32
      scf.if %cond3A_210 {
        %sub3A = arith.constant 4 : i32
        %sub3A_230 = arith.subi %add3A_192, %sub3A : i32
        %mul3A_231 = arith.constant 8 : i32
        %mul3A_232 = arith.muli %sub3A_230, %mul3A_231 : i32
        %add3A_233 = arith.addi %mul3A_2, %mul3A_232 : i32
        %dma_wait3A_234 = arith.constant 0 : i32
        %dma_wait3A_235 = tpu.memref_slice %arg5[%add3A_233, %dma_wait3A_234] : memref<32768x768xf32, #tpu.memory_space<hbm>> -> memref<8x768xf32, #tpu.memory_space<hbm>>
        %dma_wait3A_236 = arith.constant 0 : i32
        %dma_wait3A_237 = tpu.memref_slice %arg5[%add3A_233, %dma_wait3A_236] : memref<32768x768xf32, #tpu.memory_space<hbm>> -> memref<8x768xf32, #tpu.memory_space<hbm>>
        tpu.wait_dma2 semaphore(%arg30 : memref<!tpu.dma_semaphore, #tpu.memory_space<semaphore_mem>>) src(%arg18 : memref<8x768xf32, #tpu.memory_space<vmem>>) dst(%dma_wait3A_237 : memref<8x768xf32, #tpu.memory_space<hbm>>)
      } else {
      }
      %scan3A_211 = arith.constant 0 : i32
      %scan3A_212 = arith.constant 8 : i32
      %scan3A_213 = arith.addi %scan3A_211, %scan3A_212 : i32
      %scan3A_214 = arith.constant 1 : i32
      scf.for %scan3A_230 = %scan3A_211 to %scan3A_213 step %scan3A_214  : i32 {
        %mul3A_231 = arith.constant 1 : i32
        %mul3A_232 = arith.muli %scan3A_230, %mul3A_231 : i32
        %add3A_233 = arith.constant 0 : i32
        %add3A_234 = arith.addi %add3A_233, %mul3A_232 : i32
        %parallel_loop3A = arith.constant 0 : i32
        %parallel_loop3A_235 = arith.constant 768 : i32
        %parallel_loop3A_236 = arith.constant 16 : i32
        scf.for %parallel_loop3A_237 = %parallel_loop3A to %parallel_loop3A_235 step %parallel_loop3A_236  : i32 {
          %parallel_loop3A_238 = arith.index_cast %add3A_234 : i32 to index
          %parallel_loop3A_239 = arith.index_cast %parallel_loop3A_237 : i32 to index
          %parallel_loop3A_240 = tpu.vector_load %arg14[%parallel_loop3A_238, %parallel_loop3A_239] {strides = array<i32>} : memref<8x768xf32, #tpu.memory_space<vmem>>, vector<1x16xf32>,
          %parallel_loop3A_241 = vector.shape_cast %parallel_loop3A_240 : vector<1x16xf32> to vector<1x16xf32>
          %parallel_loop3A_242 = arith.index_cast %add3A_234 : i32 to index
          %parallel_loop3A_243 = arith.index_cast %parallel_loop3A_237 : i32 to index
          %parallel_loop3A_244 = tpu.vector_load %arg10[%parallel_loop3A_242, %parallel_loop3A_243] {strides = array<i32>} : memref<8x768xf32, #tpu.memory_space<vmem>>, vector<1x16xf32>,
          %parallel_loop3A_245 = vector.shape_cast %parallel_loop3A_244 : vector<1x16xf32> to vector<1x16xf32>
          %parallel_loop3A_246 = arith.addf %parallel_loop3A_241, %parallel_loop3A_245 : vector<1x16xf32>
          %parallel_loop3A_247 = arith.index_cast %add3A_234 : i32 to index
          %parallel_loop3A_248 = arith.index_cast %parallel_loop3A_237 : i32 to index
          %parallel_loop3A_249 = tpu.vector_load %arg18[%parallel_loop3A_247, %parallel_loop3A_248] {strides = array<i32>} : memref<8x768xf32, #tpu.memory_space<vmem>>, vector<1x16xf32>,
          %parallel_loop3A_250 = vector.shape_cast %parallel_loop3A_249 : vector<1x16xf32> to vector<1x16xf32>
          %parallel_loop3A_251 = vector.shape_cast %parallel_loop3A_246 : vector<1x16xf32> to vector<1x16xf32>
          tpu.vector_store %arg18[%parallel_loop3A_247, %parallel_loop3A_248], %parallel_loop3A_251 {strides = array<i32>} : memref<8x768xf32, #tpu.memory_space<vmem>>, vector<1x16xf32>,
        } {sc.loop_unroll_factor = 16 : i64, sc.parallel_access}
      }
      %scan3A_215 = arith.constant 8 : i32
      %mul3A_216 = arith.constant 8 : i32
      %mul3A_217 = arith.muli %add3A_192, %mul3A_216 : i32
      %add3A_218 = arith.addi %mul3A_2, %mul3A_217 : i32
      %dma_start3A_219 = arith.constant 0 : i32
      %dma_start3A_220 = tpu.memref_slice %arg5[%add3A_218, %dma_start3A_219] : memref<32768x768xf32, #tpu.memory_space<hbm>> -> memref<8x768xf32, #tpu.memory_space<hbm>>
      %dma_start3A_221 = arith.constant 0 : i32
      %dma_start3A_222 = tpu.memref_slice %arg5[%add3A_218, %dma_start3A_221] : memref<32768x768xf32, #tpu.memory_space<hbm>> -> memref<8x768xf32, #tpu.memory_space<hbm>>
      tpu.enqueue_dma source(%arg18 : memref<8x768xf32, #tpu.memory_space<vmem>>) target(%dma_start3A_222 : memref<8x768xf32, #tpu.memory_space<hbm>>) target_semaphore(%arg30 : memref<!tpu.dma_semaphore, #tpu.memory_space<semaphore_mem>>)
      %add3A_223 = arith.constant 4 : i32
      %add3A_224 = arith.addi %add3A_192, %add3A_223 : i32
      %lt3A_225 = arith.constant 128 : i32
      %lt3A_226 = arith.cmpi slt, %add3A_224, %lt3A_225 : i32
      %convert_element_type3A_227 = arith.extui %lt3A_226 : i1 to i32
      %cond3A_228 = arith.constant 0 : i32
      %cond3A_229 = arith.cmpi ne, %convert_element_type3A_227, %cond3A_228 : i32
      scf.if %cond3A_229 {
        %add3A_230 = arith.constant 4 : i32
        %add3A_231 = arith.addi %add3A_192, %add3A_230 : i32
        %mul3A_232 = arith.constant 8 : i32
        %mul3A_233 = arith.muli %add3A_231, %mul3A_232 : i32
        %dma_start3A_234 = tpu.memref_slice %arg6[%mul3A_233] : memref<1024xi32, #tpu.memory_space<vmem>> -> memref<8xi32, #tpu.memory_space<vmem>>
        %dma_start3A_235 = arith.constant 0 : i32
        %dma_start3A_236 = arith.constant 0 : i32
        %dma_start3A_237 = tpu.memref_slice %arg4[%dma_start3A_235, %dma_start3A_236] : memref<512x768xf32, #tpu.memory_space<hbm>> -> memref<512x768xf32, #tpu.memory_space<hbm>>
        tpu.enqueue_indirect_dma source(%dma_start3A_237 : memref<512x768xf32, #tpu.memory_space<hbm>>) target(%arg10 : memref<8x768xf32, #tpu.memory_space<vmem>>) offsets(%dma_start3A_234 : memref<8xi32, #tpu.memory_space<vmem>>) semaphore(%arg22 : memref<!tpu.dma_semaphore, #tpu.memory_space<semaphore_mem>>)
        %mul3A_238 = arith.constant 8 : i32
        %mul3A_239 = arith.muli %add3A_231, %mul3A_238 : i32
        %add3A_240 = arith.addi %mul3A_2, %mul3A_239 : i32
        %dma_start3A_241 = arith.constant 0 : i32
        %dma_start3A_242 = tpu.memref_slice %arg3[%add3A_240, %dma_start3A_241] : memref<32768x768xf32, #tpu.memory_space<hbm>> -> memref<8x768xf32, #tpu.memory_space<hbm>>
        %dma_start3A_243 = arith.constant 0 : i32
        %dma_start3A_244 = tpu.memref_slice %arg3[%add3A_240, %dma_start3A_243] : memref<32768x768xf32, #tpu.memory_space<hbm>> -> memref<8x768xf32, #tpu.memory_space<hbm>>
        tpu.enqueue_dma source(%dma_start3A_244 : memref<8x768xf32, #tpu.memory_space<hbm>>) target(%arg14 : memref<8x768xf32, #tpu.memory_space<vmem>>) target_semaphore(%arg26 : memref<!tpu.dma_semaphore, #tpu.memory_space<semaphore_mem>>)
      } else {
      }
    }
    %scan3A_49 = arith.constant 32 : i32
    %add3A_50 = arith.constant 992 : i32
    %add3A_51 = arith.addi %mul3A_2, %add3A_50 : i32
    %dma_wait3A = arith.constant 0 : i32
    %dma_wait3A_52 = tpu.memref_slice %arg5[%add3A_51, %dma_wait3A] : memref<32768x768xf32, #tpu.memory_space<hbm>> -> memref<8x768xf32, #tpu.memory_space<hbm>>
    %dma_wait3A_53 = arith.constant 0 : i32
    %dma_wait3A_54 = tpu.memref_slice %arg5[%add3A_51, %dma_wait3A_53] : memref<32768x768xf32, #tpu.memory_space<hbm>> -> memref<8x768xf32, #tpu.memory_space<hbm>>
    tpu.wait_dma2 semaphore(%arg27 : memref<!tpu.dma_semaphore, #tpu.memory_space<semaphore_mem>>) src(%arg15 : memref<8x768xf32, #tpu.memory_space<vmem>>) dst(%dma_wait3A_54 : memref<8x768xf32, #tpu.memory_space<hbm>>)
    %add3A_55 = arith.constant 1000 : i32
    %add3A_56 = arith.addi %mul3A_2, %add3A_55 : i32
    %dma_wait3A_57 = arith.constant 0 : i32
    %dma_wait3A_58 = tpu.memref_slice %arg5[%add3A_56, %dma_wait3A_57] : memref<32768x768xf32, #tpu.memory_space<hbm>> -> memref<8x768xf32, #tpu.memory_space<hbm>>
    %dma_wait3A_59 = arith.constant 0 : i32
    %dma_wait3A_60 = tpu.memref_slice %arg5[%add3A_56, %dma_wait3A_59] : memref<32768x768xf32, #tpu.memory_space<hbm>> -> memref<8x768xf32, #tpu.memory_space<hbm>>
    tpu.wait_dma2 semaphore(%arg28 : memref<!tpu.dma_semaphore, #tpu.memory_space<semaphore_mem>>) src(%arg16 : memref<8x768xf32, #tpu.memory_space<vmem>>) dst(%dma_wait3A_60 : memref<8x768xf32, #tpu.memory_space<hbm>>)
    %add3A_61 = arith.constant 1008 : i32
    %add3A_62 = arith.addi %mul3A_2, %add3A_61 : i32
    %dma_wait3A_63 = arith.constant 0 : i32
    %dma_wait3A_64 = tpu.memref_slice %arg5[%add3A_62, %dma_wait3A_63] : memref<32768x768xf32, #tpu.memory_space<hbm>> -> memref<8x768xf32, #tpu.memory_space<hbm>>
    %dma_wait3A_65 = arith.constant 0 : i32
    %dma_wait3A_66 = tpu.memref_slice %arg5[%add3A_62, %dma_wait3A_65] : memref<32768x768xf32, #tpu.memory_space<hbm>> -> memref<8x768xf32, #tpu.memory_space<hbm>>
    tpu.wait_dma2 semaphore(%arg29 : memref<!tpu.dma_semaphore, #tpu.memory_space<semaphore_mem>>) src(%arg17 : memref<8x768xf32, #tpu.memory_space<vmem>>) dst(%dma_wait3A_66 : memref<8x768xf32, #tpu.memory_space<hbm>>)
    %add3A_67 = arith.constant 1016 : i32
    %add3A_68 = arith.addi %mul3A_2, %add3A_67 : i32
    %dma_wait3A_69 = arith.constant 0 : i32
    %dma_wait3A_70 = tpu.memref_slice %arg5[%add3A_68, %dma_wait3A_69] : memref<32768x768xf32, #tpu.memory_space<hbm>> -> memref<8x768xf32, #tpu.memory_space<hbm>>
    %dma_wait3A_71 = arith.constant 0 : i32
    %dma_wait3A_72 = tpu.memref_slice %arg5[%add3A_68, %dma_wait3A_71] : memref<32768x768xf32, #tpu.memory_space<hbm>> -> memref<8x768xf32, #tpu.memory_space<hbm>>
    tpu.wait_dma2 semaphore(%arg30 : memref<!tpu.dma_semaphore, #tpu.memory_space<semaphore_mem>>) src(%arg18 : memref<8x768xf32, #tpu.memory_space<vmem>>) dst(%dma_wait3A_72 : memref<8x768xf32, #tpu.memory_space<hbm>>)
    return
  }
}

</mosaic_0001>

<sc_bundles>
// kernel: kernel.3.cloned.1.call-start
scs
__scs_entry_jumppad:
0x0: {  	(pc) =	sbr.rel $0x88, $3  }
0x1: {  	(tag) =	ssettag $0x0;
	lr =	simm.s32 $0x1  }
0x2: {  	[smem:$0x3F9E] =	sst lr;
	_ =	strace $0xD0000000  }
0x3: {  	_ = 	snop  }
0x4: {  	_ = 	snop  }
0x5: {  	_ = 	snop  }
0x6: {  	_ = 	snop  }
0x7: {  	_ = 	snop  }
__scs_overlays_trampoline_lowered:
0x8: {  	[smem:$0x3FAD] =	sst s0  }
0x9: {  	[smem:$0x3FAE] =	sst s1  }
0xa: {  	[smem:$0x3FAF] =	sst s2  }
0xb: {  	[smem:$0x3FB0] =	sst s3  }
0xc: {  	[smem:$0x3FB1] =	sst s4  }
0xd: {  	[smem:$0x3FB2] =	sst s5  }
0xe: {  	[smem:$0x3FB3] =	sst s6  }
0xf: {  	[smem:$0x3FB4] =	sst s7  }
0x10: {  	[smem:$0x3FB5] =	sst s8  }
0x11: {  	[smem:$0x3FB6] =	sst s9;
	s0 =	simm.s32 @!p0 $0x0  }
0x12: {  	s1 =	sld [smem:$0x3F9C];
	s0 =	simm.s32 @p0 $0x1  }
0x13: {  	[smem:$0x3FB7] =	sst s0;
	s0 =	simm.s32 @!p1 $0x0  }
0x14: {  	s2 =	sld [smem:$0x3F9B];
	s0 =	simm.s32 @p1 $0x1  }
0x15: {  	[smem:$0x3FB8] =	sst s0;
	s0 =	simm.s32 @!p2 $0x0  }
0x16: {  	s3 =	sld [smem:$0x3FDB];
	s0 =	simm.s32 @p2 $0x1  }
0x17: {  	s4 =	simm.s32 $0x1BF5;
	[smem:$0x3FBA] =	sst s0  }
0x18: {  	s0 =	sld [smem:$0x3F9D];
	_ =	swait.ge [sflag:s4], $0x0  }
0x19: {  	s7 =	sld [smem:$0x3F9E]  }
0x1a: {  	s8 =	sadd.s32 $0xFFFFE003, lr  }
0x1b: {  	s9 =	sadd.s32 $0xFFFFFEF7, lr;
	s5 =	simm.s32 $0xFFFFFFFF;
	p2 =	slt.u32 s8, $0xFFFFF086  }
0x1c: {  	p1 =	slt.u32 s9, $0xF7A;
	s5 =	simm.s32 @!p2 $0x0  }
0x1d: {  	s5 =	simm.s32 @p1 $0x1;
	p0 =	seq.s32 s7, s2  }
0x1e: {  	s7 =	smul.u32 @!p0 $0xF7A, s2;
	p2 =	seq.s32 @!p0 s5, $0x0  }
0x1f: {  	s9 =	smul.u32 $0xF7A, s1;
	s8 =	simm.s32 @!p0 $0x1BF5;
	p2 =	por !p2, p0  }
0x20: {  	[sflag:s8] =	ssyncset.s32 @!p0 $0xFFFFF086;
	s6 =	sadd.s32 @!p0 s3, s7;
	s7 =	simm.s32 @!p0 $0x108  }
0x21: {  	s3 =	sadd.s32 s3, s9;
	s6 =	sadd.s32 @!p0 $0x88, s6;
	s7 =	simm.s32 @p2 $0x1082  }
0x22: {  	[simem:s7], [sflag:s8] =	dma.local @!p0 [hbm:s6], $0xF7A  }
0x23: {  	s9 =	sor.u32 $0xD0000000, s2;
	s6 =	simm.s32 $0x108;
	_ =	swait.ge @!p0 [sflag:s8], $0x0  }
0x24: {  	s3 =	sadd.s32 $0x88, s3;
	s6 =	simm.s32 @!p1 $0x1082;
	[sflag:s4] =	ssyncset.s32 $0xFFFFF086  }
0x25: {  	[simem:s6], [sflag:s4] =	dma.local [hbm:s3], $0xF7A  }
0x26: {  	[smem:$0x3F9E] =	sst s1;
	(tag) =	ssettag s2;
	_ =	strace s9  }
0x27: {  	s1 =	sld [smem:$0x3FAE]  }
0x28: {  	s2 =	sld [smem:$0x3FAF]  }
0x29: {  	s4 =	sld [smem:$0x3FB1]  }
0x2a: {  	p0 =	seq.s32 s5, $0x0;
	s5 =	sld [smem:$0x3FB2]  }
0x2b: {  	s6 =	sld [smem:$0x3FB3]  }
0x2c: {  	s7 =	sld [smem:$0x3FB4]  }
0x2d: {  	s3 =	simm.s32 $0x108;
	s8 =	sld [smem:$0x3FB5]  }
0x2e: {  	s3 =	simm.s32 @!p0 $0x1082;
	s9 =	sld [smem:$0x3FB6]  }
0x2f: {  	lr =	sadd.s32 s0, s3;
	s0 =	sld [smem:$0x3FAD]  }
0x30: {  	s3 =	sld [smem:$0x3FB0]  }
0x31: {  	[smem:$0x3FB9] =	sst s10  }
0x32: {  	s10 =	sld [smem:$0x3FB7];
	_ =	sdelay $0x3  }
0x33: {  	p0 =	seq.s32 s10, $0x1;
	s10 =	sld [smem:$0x3FB9];
	_ =	sdelay $0x3  }
0x34: {  	[smem:$0x3FB9] =	sst s10  }
0x35: {  	s10 =	sld [smem:$0x3FB8];
	_ =	sdelay $0x3  }
0x36: {  	p1 =	seq.s32 s10, $0x1;
	s10 =	sld [smem:$0x3FB9];
	_ =	sdelay $0x3  }
0x37: {  	[smem:$0x3FB9] =	sst s10  }
0x38: {  	s10 =	sld [smem:$0x3FBA]  }
0x39: {  	_ = 	snop;
	(pc) =	sbr.ind lr, $3  }
0x3a: {  	_ = 	snop  }
0x3b: {  	_ = 	snop  }
0x3c: {  	p2 =	seq.s32 s10, $0x1;
	s10 =	sld [smem:$0x3FB9]  }
0x3d: {  	_ =	shalt  }
0x3e: {  	_ =	shalt  }
0x3f: {  	_ =	shalt  }
0x40: {  	_ =	shalt  }
0x41: {  	_ =	shalt  }
0x42: {  	_ =	shalt  }
0x43: {  	_ =	shalt  }
0x44: {  	_ =	shalt  }
0x45: {  	_ =	shalt  }
0x46: {  	_ =	shalt  }
0x47: {  	_ =	shalt  }
0x48: {  	_ =	shalt  }
0x49: {  	_ =	shalt  }
0x4a: {  	_ =	shalt  }
0x4b: {  	_ =	shalt  }
0x4c: {  	_ =	shalt  }
0x4d: {  	_ =	shalt  }
0x4e: {  	_ =	shalt  }
0x4f: {  	_ =	shalt  }
0x50: {  	_ =	shalt  }
0x51: {  	_ =	shalt  }
0x52: {  	_ =	shalt  }
0x53: {  	_ =	shalt  }
0x54: {  	_ =	shalt  }
0x55: {  	_ =	shalt  }
0x56: {  	_ =	shalt  }
0x57: {  	_ =	shalt  }
0x58: {  	_ =	shalt  }
0x59: {  	_ =	shalt  }
0x5a: {  	_ =	shalt  }
0x5b: {  	_ =	shalt  }
0x5c: {  	_ =	shalt  }
0x5d: {  	_ =	shalt  }
0x5e: {  	_ =	shalt  }
0x5f: {  	_ =	shalt  }
0x60: {  	_ =	shalt  }
0x61: {  	_ =	shalt  }
0x62: {  	_ =	shalt  }
0x63: {  	_ =	shalt  }
0x64: {  	_ =	shalt  }
0x65: {  	_ =	shalt  }
0x66: {  	_ =	shalt  }
0x67: {  	_ =	shalt  }
0x68: {  	_ =	shalt  }
0x69: {  	_ =	shalt  }
0x6a: {  	_ =	shalt  }
0x6b: {  	_ =	shalt  }
0x6c: {  	_ =	shalt  }
0x6d: {  	_ =	shalt  }
0x6e: {  	_ =	shalt  }
0x6f: {  	_ =	shalt  }
0x70: {  	_ =	shalt  }
0x71: {  	_ =	shalt  }
0x72: {  	_ =	shalt  }
0x73: {  	_ =	shalt  }
0x74: {  	_ =	shalt  }
0x75: {  	_ =	shalt  }
0x76: {  	_ =	shalt  }
0x77: {  	_ =	shalt  }
0x78: {  	_ =	shalt  }
0x79: {  	_ =	shalt  }
0x7a: {  	_ =	shalt  }
0x7b: {  	_ =	shalt  }
0x7c: {  	_ =	shalt  }
0x7d: {  	_ =	shalt  }
0x7e: {  	_ =	shalt  }
0x7f: {  	_ =	shalt  }
0x80: {  	_ =	shalt  }
0x81: {  	_ =	shalt  }
0x82: {  	_ =	shalt  }
0x83: {  	_ =	shalt  }
0x84: {  	_ =	shalt  }
0x85: {  	_ =	shalt  }
0x86: {  	_ =	shalt  }
0x87: {  	_ =	shalt  }
.Lfunc_end0:
.L_simem_size_0:
called_computation_lowered:
.L_overlay_start_0:
0x88: {  	s2 =	sld [smem:$0x3FD9]  }
0x89: {  	s3 =	sld [smem:$0x3FFE];
	_ =	sdelay $0x1  }
0x8a: {  	s1 =	srdreg.scid  }
0x8b: {  	s0 =	sand.u32 $0x1, s1  }
0x8c: {  	s17 =	sshll.u32 s0, $0xA;
	s2 =	sadd.s32 s3, s2  }
0x8d: {  	s2 =	sadd.s32 s2, s17  }
0x8e: {  	[smem:$0x3FC5] =	sst s2  }
0x8f: {  	_ = 	snop  }
0x90: {  	s2 =	sld [smem:$0x3FC9]  }
0x91: {  	s18 =	sld [smem:$0x3FC7]  }
0x92: {  	s4 =	sld [smem:$0x3FD0];
	(tm) =	ssettm $0x1  }
0x93: {  	s5 =	sld [smem:$0x3FFB];
	_ =	sdelay $0x3  }
0x94: {  	_ =	strace s5  }
0x95: {  	s5 =	sld [smem:$0x3FFC];
	_ =	sdelay $0x3  }
0x96: {  	_ =	strace s5  }
0x97: {  	s5 =	sld [smem:$0x3FFD];
	_ =	sdelay $0x3  }
0x98: {  	_ =	strace s5  }
0x99: {  	_ =	strace $0x8FFFFFFF  }
0x9a: {  	s19 =	sld [smem:$0x3FDB];
	_ =	sdelay $0x1  }
0x9b: {  	s6 =	simm.s32 $_scs_section_size  }
0x9c: {  	s7 =	simm.s32 $_size__tile_overlayer_lowered;
	s8 =	simm.s32 $_tile_overlayer_lowered  }
0x9d: {  	s22 =	simm.s32 $0x1BFF;
	s21 =	sshll.u32 s8, $0x1;
	s5 =	sadd.s32 s6, s19  }
0x9e: {  	s9 =	simm.s32 $0x0;
	s20 =	sshll.u32 s7, $0x1;
	s7 =	sadd.s32 s21, s5  }
0x9f: {  	[timem:s9], [sflag:s22] =	dma.local [hbm:s7], s20  }
0xa0: {  	_ =	swait.ge [sflag:s22], s20  }
0xa1: {  	s6 =	ssub.s32 $0x0, s20;
	[sflag:s22] =	ssyncset.done $0x0  }
0xa2: {  	[sflag:s22] =	ssyncadd.s32 s6;
	_ =	sdelay $0x1  }
0xa3: {  	s23 =	simm.s32 $0x1B8B  }
0xa4: {  	_ =	swait.ge [sflag:s23], $0x1  }
0xa5: {  	[sflag:s23] =	ssyncset.done $0x0  }
0xa6: {  	s25 =	simm.s32 $0x1B8E;
	s24 =	sld [smem:$0x3FFE];
	[sflag:s23] =	ssyncadd.s32 $0xFFFFFFFF  }
0xa7: {  	s26 =	simm.s32 $execute0_lowered;
	[smem:$0x3FD2] =	sst s25  }
0xa8: {  	s7 =	sshll.u32 s26, $0x1;
	_ =	strace $0x80000046;
	[dreg:$0x1] =	wrdreg $0xFFFFFFFF  }
0xa9: {  	s28 =	simm.s32 $_size_execute0_lowered;
	s5 =	sadd.s32 s5, s7;
	[dreg:$0x0] =	wrdreg $0x0  }
0xaa: {  	s7 =	sshll.u32 s28, $0x1;
	[dreg:$0x2] =	wrdreg s5  }
0xab: {  	[dreg:$0x3] =	wrdreg s7  }
0xac: {  	[dreg:$0x4] =	wrdreg $0xC0  }
0xad: {  	_ =	task [dreg:s9], $0x5FFFF  }
0xae: {  	[dreg:$0x1] =	wrdreg $0xFFFFFFFF  }
0xaf: {  	[dreg:$0x0] =	wrdreg $0x60  }
0xb0: {  	[dreg:$0x2] =	wrdreg s24  }
0xb1: {  	[dreg:$0x3] =	wrdreg s2  }
0xb2: {  	[dreg:$0x4] =	wrdreg s18  }
0xb3: {  	[dreg:$0x5] =	wrdreg s4  }
0xb4: {  	[dreg:$0x6] =	wrdreg $0x9  }
0xb5: {  	_ =	task.clear_ibuf [dreg:s9], $0x7FFFF;
	_ =	strace $0x90000046  }
0xb6: {  	s29 =	simm.s32 $0x9;
	_ =	strace $0x80000048  }
0xb7: {  	_ =	swait.ge [sflag:s29], $0x1  }
0xb8: {  	[sflag:s29] =	ssyncadd.s32 $0xFFFFFFFF  }
0xb9: {  	_ =	strace $0x90000048  }
0xba: {  	_ =	sfence  }
0xbb: {  	s30 =	sld [smem:$0x0];
	_ =	sdelay $0x2  }
0xbc: {  	s31 =	sshll.u32 s1, $0xD;
	s1 =	sshrl.u32 s1, $0x2  }
0xbd: {  	s3 =	sand.u32 $0x4000, s31;
	s1 =	sadd.s32 s1, s30  }
0xbe: {  	s0 =	sor.u32 s3, s0;
	s1 =	sshll.u32 s1, $0x11  }
0xbf: {  	s0 =	sor.u32 s1, s0  }
0xc0: {  	s0 =	sadd.s32 $0x8F2B, s0  }
0xc1: {  	[sflag:s0] =	ssyncadd.remote.s32 $0x1  }
0xc2: {  	_ =	sfence.sel $0xFFFF  }
0xc3: {  	[dreg:$0x0] =	wrdreg $0xFFFFFFFF;
	(pc) =	sbr.abs _section_cstart, $3  }
0xc4: {  	[dreg:$0x1] =	wrdreg $0xFFFFFFFF  }
0xc5: {  	_ =	task.clear_ibuf [dreg:s9], $0x2FFFF;
	_ =	strace $0x9FFFFFFF  }
0xc6: {  	(tm) =	ssettm $0x7FFFFFFF  }
0xc7: {  	_ =	shalt  }
tec
execute0_lowered:
.L_overlay_start_1:
0x0: {  	(tag) =	ssettag $0x1  }
0x1: {  	s0 =	rddreg [dreg:$0x0]  }
0x2: {  	s2 =	srdreg.scid;
	s1 =	rddreg [dreg:$0x1]  }
0x3: {  	s4 =	stileid.u32;
	s3 =	rddreg [dreg:$0x2];
	s19 =	simm.s32 $0x1  }
0x4: {  	s20 =	simm.s32 $0x5;
	s22 =	simm.s32 $0x2;
	s28 =	simm.s32 $0xF400  }
0x5: {  	s29 =	simm.s32 $0x4;
	s30 =	simm.s32 $0x8;
	s2 =	sand.u32 $0x1, s2  }
0x6: {  	s5 =	sshll.u32 s4, $0xB;
	s4 =	rddreg [dreg:$0x3];
	s9 =	sadd.s32 $0x100, s3  }
0x7: {  	s10 =	sadd.s32 $0x200, s3;
	s6 =	sshll.u32 s2, $0xA;
	s2 =	ssub.s32 $0x2, s2  }
0x8: {  	s15 =	sadd.s32 $0x600, s4;
	s16 =	sadd.s32 $0x900, s4;
	s5 =	sor.u32 s6, s5  }
0x9: {  	s6 =	simm.s32 $0x0;
	s23 =	sshrl.u32 s2, $0x1;
	s7 =	sshrl.u32 s5, $0x3  }
0xa: {  	[smem:$0x7FF] =	sst s6;
	s2 =	ssub.s32 s2, s23;
	s23 =	simm.s32 $0x6  }
0xb: {  	s8 =	smul.u32 $0x300, s7;
	s0 =	sadd.s32 s7, s0;
	s31 =	smax.u32 s2, $0x1  }
0xc: {  	_ =	strace $0x80000047;
	s0 =	sadd.s32 $0x400, s0;
	[dreg:$0xa] =	wrdreg s31  }
.Ltmp0:
0xd: {  	[dreg:$0x5] =	wrdreg s0;
	s24 =	sadd.s32 s1, s8;
	(pc) =	sbr.rel .LBB2_1-.Ltmp0, $4  }
0xe: {  	s7 =	simm.s32 $0x10C00;
	s25 =	sadd.s32 $0x300, s24;
	[dreg:$0x6] =	wrdreg s24  }
0xf: {  	v0 =	vlaneseq.u32;
	s8 =	simm.s32 $0x0;
	s26 =	sadd.s32 $0x600, s24;
	[dreg:$0x7] =	wrdreg s25  }
0x10: {  	v1 =	vshrl.u32 v0, $0x3;
	s0 =	sadd.s32 $0x900, s24;
	s24 =	simm.s32 $0xDC00;
	[dreg:$0x8] =	wrdreg s26  }
0x11: {  	vm0 =	vmmov $0xffff;
	v0 =	vand.u32 $0x7, v0;
	v1 =	vmul.u32 $0x8, v1;
	[dreg:$0x9] =	wrdreg s0;
	s25 =	simm.s32 $0x3;
	s26 =	simm.s32 $0x7  }
.LBB2_20:
0x12: {  	s0 =	simm.s32 $0x9  }
0x13: {  	_ =	swait.ge [sflag:s0], $0x1800  }
0x14: {  	[sflag:s0] =	ssyncset.done $0x0  }
0x15: {  	s18 =	simm.s32 $0xA;
	[sflag:s0] =	ssyncadd.s32 $0xFFFFE800  }
0x16: {  	_ =	swait.ge [sflag:s18], $0x1800  }
0x17: {  	[sflag:s18] =	ssyncset.done $0x0  }
0x18: {  	s21 =	simm.s32 $0xB;
	[sflag:s18] =	ssyncadd.s32 $0xFFFFE800  }
0x19: {  	_ =	swait.ge [sflag:s21], $0x1800  }
0x1a: {  	[sflag:s21] =	ssyncset.done $0x0  }
0x1b: {  	s2 =	simm.s32 $0xC;
	[sflag:s21] =	ssyncadd.s32 $0xFFFFE800  }
0x1c: {  	_ =	swait.ge [sflag:s2], $0x1800  }
0x1d: {  	s8 =	rddreg [dreg:$0xb]  }
0x1e: {  	s31 =	rddreg [dreg:$0xa];
	s8 =	sadd.s32 $0x1, s8  }
0x1f: {  	p0 =	sne.s32 s8, s31  }
.Ltmp1:
0x20: {  	_ = 	snop;
	(pc) =	sbr.rel @!p0 .LBB2_21-.Ltmp1, $3  }
0x21: {  	_ =	sdelay $0x1  }
0x22: {  	[sflag:s2] =	ssyncset.done $0x0  }
0x23: {  	[sflag:s2] =	ssyncadd.s32 $0xFFFFE800  }
.LBB2_1:
0x24: {  	[dreg:$0xb] =	wrdreg s8  }
0x25: {  	s0 =	rddreg [dreg:$0x5];
	s2 =	simm.s32 $0xD  }
0x26: {  	[tilespmem:s6], [sflag:$0xD] =	stream.linear.gather [hbm4b:s0+s6], $0x400, $0x38;
	[tilespmem:$0x12400] =	vst v63  }
0x27: {  	_ =	swait.ge [sflag:s2], $0x400  }
0x28: {  	[sflag:s2] =	ssyncset.done $0x0  }
0x29: {  	[sflag:s2] =	ssyncadd.s32 $0xFFFFFC00  }
0x2a: {  	v2 =	vld.msk [tilespmem:$0x0], $0xff;
	_ =	sdelay $0x4  }
0x2b: {  	v3 =	vshrl.u32 v2, $0x3  }
0x2c: {  	v3 =	vmul.u32 $0x30, v3  }
0x2d: {  	v2 =	vand.u32 $0x7, v2  }
0x2e: {  	v2 =	vor.u32 v2, v3  }
0x2f: {  	v2 =	vperm.xlane v2, v0;
	_ =	sdelay $0x1  }
0x30: {  	v2 =	vadd.s32 v1, v2;
	_ =	sdelay $0x3  }
0x31: {  	s8 =	simm.s32 $0x400  }
0x32: {  	[tilespmem:s8], [sflag:$0x1] =	stream.indirect_vreg.gather [hbm4b:s3+s6], $0x80, v2, vm0, $0xb8;
	[tilespmem:$0x12400] =	vst v63  }
0x33: {  	s11 =	simm.s32 $0xC00  }
0x34: {  	[tilespmem:s11], [sflag:$0x1] =	stream.indirect_vreg.gather [hbm4b:s9+s6], $0x80, v2, vm0, $0xb8;
	[tilespmem:$0x12400] =	vst v63  }
0x35: {  	s12 =	simm.s32 $0x1400  }
0x36: {  	[tilespmem:s12], [sflag:$0x1] =	stream.indirect_vreg.gather [hbm4b:s10+s6], $0x80, v2, vm0, $0xb8;
	[tilespmem:$0x12400] =	vst v63  }
0x37: {  	s13 =	rddreg [dreg:$0x6];
	s2 =	simm.s32 $0x6400  }
0x38: {  	[tilespmem:s2], [sflag:$0x5] =	stream.linear.gather [hbm4b:s13+s6], $0x1800, $0x38;
	[tilespmem:$0x12400] =	vst v63  }
0x39: {  	v2 =	vld.msk [tilespmem:$0x8], $0xff;
	_ =	sdelay $0x4  }
0x3a: {  	v3 =	vshrl.u32 v2, $0x3  }
0x3b: {  	v3 =	vmul.u32 $0x30, v3  }
0x3c: {  	v2 =	vand.u32 $0x7, v2  }
0x3d: {  	v2 =	vor.u32 v2, v3  }
0x3e: {  	v2 =	vperm.xlane v2, v0;
	_ =	sdelay $0x1  }
0x3f: {  	v2 =	vadd.s32 v1, v2;
	_ =	sdelay $0x3  }
0x40: {  	s14 =	simm.s32 $0x1C00  }
0x41: {  	[tilespmem:s14], [sflag:$0x2] =	stream.indirect_vreg.gather [hbm4b:s3+s6], $0x80, v2, vm0, $0xb8;
	[tilespmem:$0x12400] =	vst v63  }
0x42: {  	s17 =	simm.s32 $0x2400  }
0x43: {  	[tilespmem:s17], [sflag:$0x2] =	stream.indirect_vreg.gather [hbm4b:s9+s6], $0x80, v2, vm0, $0xb8;
	[tilespmem:$0x12400] =	vst v63  }
0x44: {  	s18 =	simm.s32 $0x2C00  }
0x45: {  	[tilespmem:s18], [sflag:$0x2] =	stream.indirect_vreg.gather [hbm4b:s10+s6], $0x80, v2, vm0, $0xb8;
	[tilespmem:$0x12400] =	vst v63  }
0x46: {  	s31 =	simm.s32 $0x7C00;
	s21 =	rddreg [dreg:$0x7]  }
0x47: {  	[tilespmem:s31], [sflag:$0x6] =	stream.linear.gather [hbm4b:s21+s6], $0x1800, $0x38;
	[tilespmem:$0x12400] =	vst v63  }
0x48: {  	v2 =	vld.msk [tilespmem:$0x10], $0xff;
	_ =	sdelay $0x4  }
0x49: {  	v3 =	vshrl.u32 v2, $0x3  }
0x4a: {  	v3 =	vmul.u32 $0x30, v3  }
0x4b: {  	v2 =	vand.u32 $0x7, v2  }
0x4c: {  	v2 =	vor.u32 v2, v3  }
0x4d: {  	v2 =	vperm.xlane v2, v0;
	_ =	sdelay $0x1  }
0x4e: {  	v2 =	vadd.s32 v1, v2;
	_ =	sdelay $0x3  }
0x4f: {  	s2 =	simm.s32 $0x3400  }
0x50: {  	[tilespmem:s2], [sflag:$0x3] =	stream.indirect_vreg.gather [hbm4b:s3+s6], $0x80, v2, vm0, $0xb8;
	[tilespmem:$0x12400] =	vst v63  }
0x51: {  	s8 =	simm.s32 $0x3C00  }
0x52: {  	[tilespmem:s8], [sflag:$0x3] =	stream.indirect_vreg.gather [hbm4b:s9+s6], $0x80, v2, vm0, $0xb8;
	[tilespmem:$0x12400] =	vst v63  }
0x53: {  	s11 =	simm.s32 $0x4400  }
0x54: {  	[tilespmem:s11], [sflag:$0x3] =	stream.indirect_vreg.gather [hbm4b:s10+s6], $0x80, v2, vm0, $0xb8;
	[tilespmem:$0x12400] =	vst v63  }
0x55: {  	s12 =	rddreg [dreg:$0x8];
	s13 =	simm.s32 $0x9400  }
0x56: {  	[tilespmem:s13], [sflag:$0x7] =	stream.linear.gather [hbm4b:s12+s6], $0x1800, $0x38;
	[tilespmem:$0x12400] =	vst v63  }
0x57: {  	v2 =	vld.msk [tilespmem:$0x18], $0xff;
	_ =	sdelay $0x4  }
0x58: {  	v3 =	vshrl.u32 v2, $0x3  }
0x59: {  	v3 =	vmul.u32 $0x30, v3  }
0x5a: {  	v2 =	vand.u32 $0x7, v2  }
0x5b: {  	v2 =	vor.u32 v2, v3  }
0x5c: {  	v2 =	vperm.xlane v2, v0;
	_ =	sdelay $0x1  }
0x5d: {  	v2 =	vadd.s32 v1, v2;
	_ =	sdelay $0x3  }
0x5e: {  	s14 =	simm.s32 $0x4C00  }
0x5f: {  	[tilespmem:s14], [sflag:$0x4] =	stream.indirect_vreg.gather [hbm4b:s3+s6], $0x80, v2, vm0, $0xb8;
	[tilespmem:$0x12400] =	vst v63  }
0x60: {  	s17 =	simm.s32 $0x5400  }
0x61: {  	[tilespmem:s17], [sflag:$0x4] =	stream.indirect_vreg.gather [hbm4b:s9+s6], $0x80, v2, vm0, $0xb8;
	[tilespmem:$0x12400] =	vst v63  }
0x62: {  	s18 =	simm.s32 $0x5C00  }
0x63: {  	[tilespmem:s18], [sflag:$0x4] =	stream.indirect_vreg.gather [hbm4b:s10+s6], $0x80, v2, vm0, $0xb8;
	[tilespmem:$0x12400] =	vst v63  }
0x64: {  	s21 =	rddreg [dreg:$0x9];
	s31 =	simm.s32 $0xAC00;
	s17 =	simm.s32 $0x0  }
0x65: {  	[tilespmem:s31], [sflag:$0x8] =	stream.linear.gather [hbm4b:s21+s6], $0x1800, $0x38;
	[tilespmem:$0x12400] =	vst v63  }
.LBB2_2:
0x66: {  	_ =	swait.ge [sflag:s19], $0x1800  }
0x67: {  	[sflag:s19] =	ssyncset.done $0x0  }
0x68: {  	[sflag:s19] =	ssyncadd.s32 $0xFFFFE800  }
0x69: {  	_ =	swait.ge [sflag:s20], $0x1800  }
0x6a: {  	p0 =	seq.s32 s17, $0x0;
	[sflag:s20] =	ssyncset.done $0x0  }
0x6b: {  	s0 =	simm.s32 @!p0 $0x9;
	[sflag:s20] =	ssyncadd.s32 $0xFFFFE800  }
0x6c: {  	s11 =	sshll.u32 s17, $0x5;
	s13 =	simm.s32 $0x0;
	_ =	swait.ge @!p0 [sflag:s0], $0x1800  }
0x6d: {  	s2 =	simm.s32 $0xC800;
	s21 =	simm.s32 $0x800;
	[sflag:s0] =	ssyncset.done @!p0 $0x0  }
0x6e: {  	s31 =	simm.s32 $0x6800;
	s12 =	sor.u32 s5, s11;
	[sflag:s0] =	ssyncadd.s32 @!p0 $0xFFFFE800  }
.LBB2_3:
0x6f: {  	v3 =	vld [tilespmem:s31+$0x70]  }
0x70: {  	v4 =	vld [tilespmem:s21+$0x70]  }
0x71: {  	v2 =	vld [tilespmem:s21+$0xFFFFFC00]  }
0x72: {  	v5 =	vld [tilespmem:s31+$0xFFFFFC10]  }
0x73: {  	v6 =	vld [tilespmem:s21+$0xFFFFFC10]  }
0x74: {  	v7 =	vld [tilespmem:s31+$0xFFFFFC20]  }
0x75: {  	v8 =	vld [tilespmem:s21+$0xFFFFFC20]  }
0x76: {  	v9 =	vld [tilespmem:s31+$0xFFFFFC30]  }
0x77: {  	v10 =	vld [tilespmem:s21+$0xFFFFFC30]  }
0x78: {  	v11 =	vld [tilespmem:s31+$0xFFFFFC40]  }
0x79: {  	v12 =	vld [tilespmem:s21+$0xFFFFFC40]  }
0x7a: {  	v13 =	vld [tilespmem:s31+$0xFFFFFC50]  }
0x7b: {  	v14 =	vld [tilespmem:s21+$0xFFFFFC50]  }
0x7c: {  	v15 =	vld [tilespmem:s31+$0xFFFFFC60]  }
0x7d: {  	v16 =	vld [tilespmem:s21+$0xFFFFFC60]  }
0x7e: {  	v17 =	vld [tilespmem:s31+$0xFFFFFC70]  }
0x7f: {  	v18 =	vld [tilespmem:s21+$0xFFFFFC70]  }
0x80: {  	v19 =	vld [tilespmem:s31+$0x0]  }
0x81: {  	v3 =	vadd.f32 v4, v3;
	v4 =	vld [tilespmem:s21+$0x0]  }
0x82: {  	v5 =	vadd.f32 v6, v5;
	v6 =	vld [tilespmem:s31+$0x10]  }
0x83: {  	[tilespmem:s2+$0x70] =	vst v3;
	v3 =	vadd.f32 v8, v7;
	v7 =	vld [tilespmem:s21+$0x10]  }
0x84: {  	[tilespmem:s2+$0xFFFFFC10] =	vst v5;
	v5 =	vadd.f32 v10, v9;
	v8 =	vld [tilespmem:s31+$0x20]  }
0x85: {  	v9 =	vld [tilespmem:s21+$0x20];
	[tilespmem:s2+$0xFFFFFC20] =	vst v3;
	v3 =	vadd.f32 v12, v11  }
0x86: {  	v10 =	vld [tilespmem:s31+$0x30];
	[tilespmem:s2+$0xFFFFFC30] =	vst v5;
	v5 =	vadd.f32 v14, v13  }
0x87: {  	v11 =	vld [tilespmem:s21+$0x30];
	v4 =	vadd.f32 v4, v19;
	[tilespmem:s2+$0xFFFFFC40] =	vst v3  }
0x88: {  	v62 =	vld [tilespmem:s31+$0x40];
	v3 =	vadd.f32 v16, v15;
	[tilespmem:s2+$0xFFFFFC50] =	vst v5  }
0x89: {  	v63 =	vld [tilespmem:s21+$0x40];
	v5 =	vadd.f32 v18, v17;
	[tilespmem:s2+$0x0] =	vst v4  }
0x8a: {  	v6 =	vadd.f32 v7, v6;
	[tilespmem:s2+$0xFFFFFC60] =	vst v3;
	v3 =	vld [tilespmem:s31+$0x50]  }
0x8b: {  	v7 =	vadd.f32 v9, v8;
	[tilespmem:s2+$0xFFFFFC70] =	vst v5;
	v5 =	vld [tilespmem:s21+$0x50]  }
0x8c: {  	v4 =	vld [tilespmem:s31+$0x60];
	[tilespmem:s2+$0x10] =	vst v6;
	v8 =	vadd.f32 v11, v10  }
0x8d: {  	s0 =	simm.s32 $0x0;
	[tilespmem:s2+$0x20] =	vst v7;
	v7 =	vld [tilespmem:s21+$0x60]  }
0x8e: {  	s18 =	sadd.s32 $0x800, s31;
	s8 =	smov.u32 s21;
	s14 =	smov.u32 s2;
	v6 =	vld [tilespmem:s31+$0xFFFFFC00];
	[tilespmem:s2+$0x30] =	vst v8;
	v8 =	vadd.f32 v63, v62  }
.LBB2_4:
0x8f: {  	v9 =	vld [tilespmem:s18+$0x70];
	s8 =	sadd.s32 $0x800, s8  }
0x90: {  	s0 =	sadd.s32 $0x100, s0;
	v10 =	vld [tilespmem:s8+$0x70];
	[tilespmem:s14+$0x40] =	vst v8;
	v3 =	vadd.f32 v5, v3  }
0x91: {  	p1 =	slt.u32 s0, $0x200;
	v5 =	vld [tilespmem:s8+$0xFFFFFC00]  }
0x92: {  	v8 =	vld [tilespmem:s18+$0xFFFFFC10];
	[tilespmem:s14+$0x50] =	vst v3;
	v3 =	vadd.f32 v7, v4  }
0x93: {  	v4 =	vld [tilespmem:s8+$0xFFFFFC10];
	v11 =	vadd.f32 v2, v6  }
0x94: {  	v6 =	vld [tilespmem:s18+$0xFFFFFC20];
	[tilespmem:s14+$0x60] =	vst v3  }
0x95: {  	v3 =	vld [tilespmem:s8+$0xFFFFFC20];
	v7 =	vadd.f32 v10, v9;
	[tilespmem:s14+$0xFFFFFC00] =	vst v11  }
0x96: {  	s14 =	sadd.s32 $0x800, s14;
	v9 =	vld [tilespmem:s18+$0xFFFFFC30];
	v2 =	vmov v5  }
0x97: {  	v5 =	vld [tilespmem:s8+$0xFFFFFC30];
	[tilespmem:s14+$0x70] =	vst v7  }
0x98: {  	v4 =	vadd.f32 v4, v8;
	v7 =	vld [tilespmem:s18+$0xFFFFFC40]  }
0x99: {  	v8 =	vld [tilespmem:s8+$0xFFFFFC40]  }
0x9a: {  	[tilespmem:s14+$0xFFFFFC10] =	vst v4;
	v3 =	vadd.f32 v3, v6;
	v4 =	vld [tilespmem:s18+$0xFFFFFC50]  }
0x9b: {  	v6 =	vld [tilespmem:s8+$0xFFFFFC50]  }
0x9c: {  	[tilespmem:s14+$0xFFFFFC20] =	vst v3;
	v3 =	vadd.f32 v5, v9;
	v5 =	vld [tilespmem:s18+$0xFFFFFC60]  }
0x9d: {  	v9 =	vld [tilespmem:s8+$0xFFFFFC60]  }
0x9e: {  	[tilespmem:s14+$0xFFFFFC30] =	vst v3;
	v3 =	vadd.f32 v8, v7;
	v7 =	vld [tilespmem:s18+$0xFFFFFC70]  }
0x9f: {  	v8 =	vld [tilespmem:s8+$0xFFFFFC70]  }
0xa0: {  	[tilespmem:s14+$0xFFFFFC40] =	vst v3;
	v3 =	vadd.f32 v6, v4;
	v4 =	vld [tilespmem:s18+$0x0]  }
0xa1: {  	v6 =	vld [tilespmem:s8+$0x0]  }
0xa2: {  	[tilespmem:s14+$0xFFFFFC50] =	vst v3;
	v3 =	vadd.f32 v9, v5;
	v5 =	vld [tilespmem:s18+$0x10]  }
0xa3: {  	v9 =	vld [tilespmem:s8+$0x10]  }
0xa4: {  	[tilespmem:s14+$0xFFFFFC60] =	vst v3;
	v3 =	vadd.f32 v8, v7;
	v7 =	vld [tilespmem:s18+$0x20]  }
0xa5: {  	v8 =	vld [tilespmem:s8+$0x20]  }
0xa6: {  	[tilespmem:s14+$0xFFFFFC70] =	vst v3;
	v3 =	vadd.f32 v6, v4;
	v4 =	vld [tilespmem:s18+$0x30]  }
0xa7: {  	v6 =	vld [tilespmem:s8+$0x30]  }
0xa8: {  	[tilespmem:s14+$0x0] =	vst v3;
	v3 =	vadd.f32 v9, v5;
	v9 =	vld [tilespmem:s18+$0x40]  }
0xa9: {  	v10 =	vld [tilespmem:s8+$0x40]  }
.Ltmp2:
0xaa: {  	[tilespmem:s14+$0x10] =	vst v3;
	v7 =	vadd.f32 v8, v7;
	v3 =	vld [tilespmem:s18+$0x50];
	(pc) =	sbr.rel @p1 .LBB2_4-.Ltmp2, $4  }
0xab: {  	v5 =	vld [tilespmem:s8+$0x50]  }
0xac: {  	[tilespmem:s14+$0x20] =	vst v7;
	v8 =	vadd.f32 v6, v4;
	v4 =	vld [tilespmem:s18+$0x60]  }
0xad: {  	v7 =	vld [tilespmem:s8+$0x60]  }
0xae: {  	v6 =	vld [tilespmem:s18+$0xFFFFFC00];
	[tilespmem:s14+$0x30] =	vst v8;
	v8 =	vadd.f32 v10, v9;
	s18 =	sadd.s32 $0x800, s18  }
0xaf: {  	s13 =	sadd.s32 $0x1, s13  }
0xb0: {  	p1 =	sne.s32 s13, $0x8  }
.Ltmp3:
0xb1: {  	v3 =	vadd.f32 v5, v3;
	(pc) =	sbr.rel @p1 .LBB2_3-.Ltmp3, $4  }
0xb2: {  	[tilespmem:s14+$0x40] =	vst v8;
	v4 =	vadd.f32 v7, v4  }
0xb3: {  	[tilespmem:s14+$0x50] =	vst v3;
	v2 =	vadd.f32 v2, v6  }
0xb4: {  	[tilespmem:s14+$0x60] =	vst v4  }
0xb5: {  	s2 =	sadd.s32 $0x80, s2;
	s21 =	sadd.s32 $0x80, s21;
	s31 =	sadd.s32 $0x80, s31;
	[tilespmem:s14+$0xFFFFFC00] =	vst v2  }
0xb6: {  	s0 =	sshrl.u32 s12, $0x3  }
0xb7: {  	s12 =	smul.u32 $0x300, s0;
	_ =	sdelay $0x1  }
0xb8: {  	s2 =	simm.s32 $0xC400;
	p1 =	seq.s32 s17, $0x1F;
	s0 =	sadd.s32 s4, s12  }
0xb9: {  	[hbm4b:s0+s6] =	stream.linear.scatter [tilespmem:s2], [sflag:$0x9], $0x1800, $0x38;
	[tilespmem:$0x12400] =	vst v63  }
0xba: {  	v2 =	vld.msk @!p1 [tilespmem:s11+$0x20], $0xff;
	_ =	sdelay $0x4  }
0xbb: {  	v3 =	vshrl.u32 @!p1 v2, $0x3  }
0xbc: {  	v3 =	vmul.u32 @!p1 $0x30, v3  }
0xbd: {  	v4 =	vlaneseq.u32 @!p1;
	v2 =	vand.u32 @!p1 $0x7, v2  }
0xbe: {  	v2 =	vor.u32 @!p1 v2, v3;
	v3 =	vand.u32 @!p1 $0x7, v4;
	v4 =	vshrl.u32 @!p1 v4, $0x3  }
0xbf: {  	v2 =	vperm.xlane @!p1 v2, v3;
	v3 =	vmul.u32 @!p1 $0x8, v4;
	_ =	sdelay $0x1  }
0xc0: {  	v2 =	vadd.s32 @!p1 v3, v2;
	_ =	sdelay $0x3  }
0xc1: {  	vm1 =	vmmov @!p1 $0xffff;
	s0 =	simm.s32 @!p1 $0x0;
	s2 =	simm.s32 @!p1 $0x400  }
0xc2: {  	[tilespmem:s2], [sflag:$0x1] =	stream.indirect_vreg.gather @!p1 [hbm4b:s3+s0], $0x80, v2, vm1, $0xb8;
	[tilespmem:$0x12400] =	vst v63  }
0xc3: {  	s2 =	sadd.s32 @!p1 $0x20, s11  }
0xc4: {  	s8 =	simm.s32 @!p1 $0xC00;
	s2 =	sadd.s32 @!p1 s5, s2  }
0xc5: {  	[tilespmem:s8], [sflag:$0x1] =	stream.indirect_vreg.gather @!p1 [hbm4b:s9+s0], $0x80, v2, vm1, $0xb8;
	[tilespmem:$0x12400] =	vst v63  }
0xc6: {  	s2 =	sshrl.u32 @!p1 s2, $0x3  }
0xc7: {  	s8 =	simm.s32 @!p1 $0x1400;
	s2 =	smul.u32 @!p1 $0x300, s2  }
0xc8: {  	[tilespmem:s8], [sflag:$0x1] =	stream.indirect_vreg.gather @!p1 [hbm4b:s10+s0], $0x80, v2, vm1, $0xb8;
	[tilespmem:$0x12400] =	vst v63  }
0xc9: {  	s8 =	simm.s32 @!p1 $0x6400;
	s2 =	sadd.s32 @!p1 s1, s2  }
0xca: {  	[tilespmem:s8], [sflag:$0x5] =	stream.linear.gather @!p1 [hbm4b:s2+s0], $0x1800, $0x38;
	[tilespmem:$0x12400] =	vst v63  }
0xcb: {  	_ =	swait.ge [sflag:s22], $0x1800  }
0xcc: {  	[sflag:s22] =	ssyncset.done $0x0  }
0xcd: {  	[sflag:s22] =	ssyncadd.s32 $0xFFFFE800  }
0xce: {  	_ =	swait.ge [sflag:s23], $0x1800  }
0xcf: {  	[sflag:s23] =	ssyncset.done $0x0  }
0xd0: {  	s0 =	simm.s32 @!p0 $0xA;
	[sflag:s23] =	ssyncadd.s32 $0xFFFFE800  }
0xd1: {  	_ =	swait.ge @!p0 [sflag:s0], $0x1800  }
0xd2: {  	s13 =	simm.s32 $0x0;
	s14 =	simm.s32 $0xE000;
	[sflag:s0] =	ssyncset.done @!p0 $0x0  }
0xd3: {  	s31 =	simm.s32 $0x8000;
	s8 =	simm.s32 $0x2000;
	[sflag:s0] =	ssyncadd.s32 @!p0 $0xFFFFE800  }
.LBB2_7:
0xd4: {  	v3 =	vld [tilespmem:s31+$0x70]  }
0xd5: {  	v4 =	vld [tilespmem:s8+$0x70]  }
0xd6: {  	v2 =	vld [tilespmem:s8+$0xFFFFFC00]  }
0xd7: {  	v5 =	vld [tilespmem:s31+$0xFFFFFC10]  }
0xd8: {  	v6 =	vld [tilespmem:s8+$0xFFFFFC10]  }
0xd9: {  	v7 =	vld [tilespmem:s31+$0xFFFFFC20]  }
0xda: {  	v8 =	vld [tilespmem:s8+$0xFFFFFC20]  }
0xdb: {  	v9 =	vld [tilespmem:s31+$0xFFFFFC30]  }
0xdc: {  	v10 =	vld [tilespmem:s8+$0xFFFFFC30]  }
0xdd: {  	v11 =	vld [tilespmem:s31+$0xFFFFFC40]  }
0xde: {  	v12 =	vld [tilespmem:s8+$0xFFFFFC40]  }
0xdf: {  	v13 =	vld [tilespmem:s31+$0xFFFFFC50]  }
0xe0: {  	v14 =	vld [tilespmem:s8+$0xFFFFFC50]  }
0xe1: {  	v15 =	vld [tilespmem:s31+$0xFFFFFC60]  }
0xe2: {  	v16 =	vld [tilespmem:s8+$0xFFFFFC60]  }
0xe3: {  	v17 =	vld [tilespmem:s31+$0xFFFFFC70]  }
0xe4: {  	v18 =	vld [tilespmem:s8+$0xFFFFFC70]  }
0xe5: {  	v19 =	vld [tilespmem:s31+$0x0]  }
0xe6: {  	v3 =	vadd.f32 v4, v3;
	v4 =	vld [tilespmem:s8+$0x0]  }
0xe7: {  	v5 =	vadd.f32 v6, v5;
	v6 =	vld [tilespmem:s31+$0x10]  }
0xe8: {  	[tilespmem:s14+$0x70] =	vst v3;
	v3 =	vadd.f32 v8, v7;
	v7 =	vld [tilespmem:s8+$0x10]  }
0xe9: {  	[tilespmem:s14+$0xFFFFFC10] =	vst v5;
	v5 =	vadd.f32 v10, v9;
	v8 =	vld [tilespmem:s31+$0x20]  }
0xea: {  	v9 =	vld [tilespmem:s8+$0x20];
	[tilespmem:s14+$0xFFFFFC20] =	vst v3;
	v3 =	vadd.f32 v12, v11  }
0xeb: {  	v10 =	vld [tilespmem:s31+$0x30];
	[tilespmem:s14+$0xFFFFFC30] =	vst v5;
	v5 =	vadd.f32 v14, v13  }
0xec: {  	v11 =	vld [tilespmem:s8+$0x30];
	v4 =	vadd.f32 v4, v19;
	[tilespmem:s14+$0xFFFFFC40] =	vst v3  }
0xed: {  	v62 =	vld [tilespmem:s31+$0x40];
	v3 =	vadd.f32 v16, v15;
	[tilespmem:s14+$0xFFFFFC50] =	vst v5  }
0xee: {  	v63 =	vld [tilespmem:s8+$0x40];
	v5 =	vadd.f32 v18, v17;
	[tilespmem:s14+$0x0] =	vst v4  }
0xef: {  	v6 =	vadd.f32 v7, v6;
	[tilespmem:s14+$0xFFFFFC60] =	vst v3;
	v3 =	vld [tilespmem:s31+$0x50]  }
0xf0: {  	v7 =	vadd.f32 v9, v8;
	[tilespmem:s14+$0xFFFFFC70] =	vst v5;
	v5 =	vld [tilespmem:s8+$0x50]  }
0xf1: {  	v4 =	vld [tilespmem:s31+$0x60];
	[tilespmem:s14+$0x10] =	vst v6;
	v8 =	vadd.f32 v11, v10  }
0xf2: {  	s0 =	simm.s32 $0x0;
	[tilespmem:s14+$0x20] =	vst v7;
	v7 =	vld [tilespmem:s8+$0x60]  }
0xf3: {  	s18 =	sadd.s32 $0x800, s31;
	s21 =	smov.u32 s8;
	s2 =	smov.u32 s14;
	v6 =	vld [tilespmem:s31+$0xFFFFFC00];
	[tilespmem:s14+$0x30] =	vst v8;
	v8 =	vadd.f32 v63, v62  }
.LBB2_8:
0xf4: {  	v9 =	vld [tilespmem:s18+$0x70];
	s21 =	sadd.s32 $0x800, s21  }
0xf5: {  	s0 =	sadd.s32 $0x100, s0;
	v10 =	vld [tilespmem:s21+$0x70];
	[tilespmem:s2+$0x40] =	vst v8;
	v3 =	vadd.f32 v5, v3  }
0xf6: {  	p2 =	slt.u32 s0, $0x200;
	v5 =	vld [tilespmem:s21+$0xFFFFFC00]  }
0xf7: {  	v8 =	vld [tilespmem:s18+$0xFFFFFC10];
	[tilespmem:s2+$0x50] =	vst v3;
	v3 =	vadd.f32 v7, v4  }
0xf8: {  	v4 =	vld [tilespmem:s21+$0xFFFFFC10];
	v11 =	vadd.f32 v2, v6  }
0xf9: {  	v6 =	vld [tilespmem:s18+$0xFFFFFC20];
	[tilespmem:s2+$0x60] =	vst v3  }
0xfa: {  	v3 =	vld [tilespmem:s21+$0xFFFFFC20];
	v7 =	vadd.f32 v10, v9;
	[tilespmem:s2+$0xFFFFFC00] =	vst v11  }
0xfb: {  	s2 =	sadd.s32 $0x800, s2;
	v9 =	vld [tilespmem:s18+$0xFFFFFC30];
	v2 =	vmov v5  }
0xfc: {  	v5 =	vld [tilespmem:s21+$0xFFFFFC30];
	[tilespmem:s2+$0x70] =	vst v7  }
0xfd: {  	v4 =	vadd.f32 v4, v8;
	v7 =	vld [tilespmem:s18+$0xFFFFFC40]  }
0xfe: {  	v8 =	vld [tilespmem:s21+$0xFFFFFC40]  }
0xff: {  	[tilespmem:s2+$0xFFFFFC10] =	vst v4;
	v3 =	vadd.f32 v3, v6;
	v4 =	vld [tilespmem:s18+$0xFFFFFC50]  }
0x100: {  	v6 =	vld [tilespmem:s21+$0xFFFFFC50]  }
0x101: {  	[tilespmem:s2+$0xFFFFFC20] =	vst v3;
	v3 =	vadd.f32 v5, v9;
	v5 =	vld [tilespmem:s18+$0xFFFFFC60]  }
0x102: {  	v9 =	vld [tilespmem:s21+$0xFFFFFC60]  }
0x103: {  	[tilespmem:s2+$0xFFFFFC30] =	vst v3;
	v3 =	vadd.f32 v8, v7;
	v7 =	vld [tilespmem:s18+$0xFFFFFC70]  }
0x104: {  	v8 =	vld [tilespmem:s21+$0xFFFFFC70]  }
0x105: {  	[tilespmem:s2+$0xFFFFFC40] =	vst v3;
	v3 =	vadd.f32 v6, v4;
	v4 =	vld [tilespmem:s18+$0x0]  }
0x106: {  	v6 =	vld [tilespmem:s21+$0x0]  }
0x107: {  	[tilespmem:s2+$0xFFFFFC50] =	vst v3;
	v3 =	vadd.f32 v9, v5;
	v5 =	vld [tilespmem:s18+$0x10]  }
0x108: {  	v9 =	vld [tilespmem:s21+$0x10]  }
0x109: {  	[tilespmem:s2+$0xFFFFFC60] =	vst v3;
	v3 =	vadd.f32 v8, v7;
	v7 =	vld [tilespmem:s18+$0x20]  }
0x10a: {  	v8 =	vld [tilespmem:s21+$0x20]  }
0x10b: {  	[tilespmem:s2+$0xFFFFFC70] =	vst v3;
	v3 =	vadd.f32 v6, v4;
	v4 =	vld [tilespmem:s18+$0x30]  }
0x10c: {  	v6 =	vld [tilespmem:s21+$0x30]  }
0x10d: {  	[tilespmem:s2+$0x0] =	vst v3;
	v3 =	vadd.f32 v9, v5;
	v9 =	vld [tilespmem:s18+$0x40]  }
0x10e: {  	v10 =	vld [tilespmem:s21+$0x40]  }
.Ltmp4:
0x10f: {  	[tilespmem:s2+$0x10] =	vst v3;
	v7 =	vadd.f32 v8, v7;
	v3 =	vld [tilespmem:s18+$0x50];
	(pc) =	sbr.rel @p2 .LBB2_8-.Ltmp4, $4  }
0x110: {  	v5 =	vld [tilespmem:s21+$0x50]  }
0x111: {  	[tilespmem:s2+$0x20] =	vst v7;
	v8 =	vadd.f32 v6, v4;
	v4 =	vld [tilespmem:s18+$0x60]  }
0x112: {  	v7 =	vld [tilespmem:s21+$0x60]  }
0x113: {  	v6 =	vld [tilespmem:s18+$0xFFFFFC00];
	[tilespmem:s2+$0x30] =	vst v8;
	v8 =	vadd.f32 v10, v9;
	s18 =	sadd.s32 $0x800, s18  }
0x114: {  	s13 =	sadd.s32 $0x1, s13  }
0x115: {  	p2 =	sne.s32 s13, $0x8  }
.Ltmp5:
0x116: {  	v3 =	vadd.f32 v5, v3;
	(pc) =	sbr.rel @p2 .LBB2_7-.Ltmp5, $4  }
0x117: {  	[tilespmem:s2+$0x40] =	vst v8;
	v4 =	vadd.f32 v7, v4  }
0x118: {  	[tilespmem:s2+$0x50] =	vst v3;
	v2 =	vadd.f32 v2, v6  }
0x119: {  	[tilespmem:s2+$0x60] =	vst v4  }
0x11a: {  	s14 =	sadd.s32 $0x80, s14;
	s8 =	sadd.s32 $0x80, s8;
	s31 =	sadd.s32 $0x80, s31;
	[tilespmem:s2+$0xFFFFFC00] =	vst v2  }
0x11b: {  	s0 =	sadd.s32 s12, s4  }
0x11c: {  	s0 =	sadd.s32 $0x300, s0  }
0x11d: {  	[hbm4b:s0+s6] =	stream.linear.scatter [tilespmem:s24], [sflag:$0xA], $0x1800, $0x38;
	[tilespmem:$0x12400] =	vst v63  }
0x11e: {  	v2 =	vld.msk @!p1 [tilespmem:s11+$0x28], $0xff;
	_ =	sdelay $0x4  }
0x11f: {  	v3 =	vshrl.u32 @!p1 v2, $0x3  }
0x120: {  	v3 =	vmul.u32 @!p1 $0x30, v3  }
0x121: {  	v4 =	vlaneseq.u32 @!p1;
	v2 =	vand.u32 @!p1 $0x7, v2  }
0x122: {  	v2 =	vor.u32 @!p1 v2, v3;
	v3 =	vand.u32 @!p1 $0x7, v4;
	v4 =	vshrl.u32 @!p1 v4, $0x3  }
0x123: {  	v2 =	vperm.xlane @!p1 v2, v3;
	v3 =	vmul.u32 @!p1 $0x8, v4;
	_ =	sdelay $0x1  }
0x124: {  	v2 =	vadd.s32 @!p1 v3, v2;
	_ =	sdelay $0x3  }
0x125: {  	s2 =	simm.s32 @!p1 $0x1C00;
	s0 =	simm.s32 @!p1 $0x0  }
0x126: {  	[tilespmem:s2], [sflag:$0x2] =	stream.indirect_vreg.gather @!p1 [hbm4b:s3+s0], $0x80, v2, vm1, $0xb8;
	[tilespmem:$0x12400] =	vst v63  }
0x127: {  	s2 =	sadd.s32 @!p1 $0x28, s11  }
0x128: {  	s8 =	simm.s32 @!p1 $0x2400;
	s2 =	sadd.s32 @!p1 s5, s2  }
0x129: {  	[tilespmem:s8], [sflag:$0x2] =	stream.indirect_vreg.gather @!p1 [hbm4b:s9+s0], $0x80, v2, vm1, $0xb8;
	[tilespmem:$0x12400] =	vst v63  }
0x12a: {  	s2 =	sshrl.u32 @!p1 s2, $0x3  }
0x12b: {  	s8 =	simm.s32 @!p1 $0x2C00;
	s2 =	smul.u32 @!p1 $0x300, s2  }
0x12c: {  	[tilespmem:s8], [sflag:$0x2] =	stream.indirect_vreg.gather @!p1 [hbm4b:s10+s0], $0x80, v2, vm1, $0xb8;
	[tilespmem:$0x12400] =	vst v63  }
0x12d: {  	s8 =	simm.s32 @!p1 $0x7C00;
	s2 =	sadd.s32 @!p1 s1, s2  }
0x12e: {  	[tilespmem:s8], [sflag:$0x6] =	stream.linear.gather @!p1 [hbm4b:s2+s0], $0x1800, $0x38;
	[tilespmem:$0x12400] =	vst v63  }
0x12f: {  	_ =	swait.ge [sflag:s25], $0x1800  }
0x130: {  	[sflag:s25] =	ssyncset.done $0x0  }
0x131: {  	[sflag:s25] =	ssyncadd.s32 $0xFFFFE800  }
0x132: {  	_ =	swait.ge [sflag:s26], $0x1800  }
0x133: {  	[sflag:s26] =	ssyncset.done $0x0  }
0x134: {  	s0 =	simm.s32 @!p0 $0xB;
	[sflag:s26] =	ssyncadd.s32 $0xFFFFE800  }
0x135: {  	_ =	swait.ge @!p0 [sflag:s0], $0x1800  }
0x136: {  	s13 =	simm.s32 $0x0;
	s14 =	simm.s32 $0xF800;
	[sflag:s0] =	ssyncset.done @!p0 $0x0  }
0x137: {  	s31 =	simm.s32 $0x9800;
	s8 =	simm.s32 $0x3800;
	[sflag:s0] =	ssyncadd.s32 @!p0 $0xFFFFE800  }
.LBB2_11:
0x138: {  	v3 =	vld [tilespmem:s31+$0x70]  }
0x139: {  	v4 =	vld [tilespmem:s8+$0x70]  }
0x13a: {  	v2 =	vld [tilespmem:s8+$0xFFFFFC00]  }
0x13b: {  	v5 =	vld [tilespmem:s31+$0xFFFFFC10]  }
0x13c: {  	v6 =	vld [tilespmem:s8+$0xFFFFFC10]  }
0x13d: {  	v7 =	vld [tilespmem:s31+$0xFFFFFC20]  }
0x13e: {  	v8 =	vld [tilespmem:s8+$0xFFFFFC20]  }
0x13f: {  	v9 =	vld [tilespmem:s31+$0xFFFFFC30]  }
0x140: {  	v10 =	vld [tilespmem:s8+$0xFFFFFC30]  }
0x141: {  	v11 =	vld [tilespmem:s31+$0xFFFFFC40]  }
0x142: {  	v12 =	vld [tilespmem:s8+$0xFFFFFC40]  }
0x143: {  	v13 =	vld [tilespmem:s31+$0xFFFFFC50]  }
0x144: {  	v14 =	vld [tilespmem:s8+$0xFFFFFC50]  }
0x145: {  	v15 =	vld [tilespmem:s31+$0xFFFFFC60]  }
0x146: {  	v16 =	vld [tilespmem:s8+$0xFFFFFC60]  }
0x147: {  	v17 =	vld [tilespmem:s31+$0xFFFFFC70]  }
0x148: {  	v18 =	vld [tilespmem:s8+$0xFFFFFC70]  }
0x149: {  	v19 =	vld [tilespmem:s31+$0x0]  }
0x14a: {  	v3 =	vadd.f32 v4, v3;
	v4 =	vld [tilespmem:s8+$0x0]  }
0x14b: {  	v5 =	vadd.f32 v6, v5;
	v6 =	vld [tilespmem:s31+$0x10]  }
0x14c: {  	[tilespmem:s14+$0x70] =	vst v3;
	v3 =	vadd.f32 v8, v7;
	v7 =	vld [tilespmem:s8+$0x10]  }
0x14d: {  	[tilespmem:s14+$0xFFFFFC10] =	vst v5;
	v5 =	vadd.f32 v10, v9;
	v8 =	vld [tilespmem:s31+$0x20]  }
0x14e: {  	v9 =	vld [tilespmem:s8+$0x20];
	[tilespmem:s14+$0xFFFFFC20] =	vst v3;
	v3 =	vadd.f32 v12, v11  }
0x14f: {  	v10 =	vld [tilespmem:s31+$0x30];
	[tilespmem:s14+$0xFFFFFC30] =	vst v5;
	v5 =	vadd.f32 v14, v13  }
0x150: {  	v11 =	vld [tilespmem:s8+$0x30];
	v4 =	vadd.f32 v4, v19;
	[tilespmem:s14+$0xFFFFFC40] =	vst v3  }
0x151: {  	v62 =	vld [tilespmem:s31+$0x40];
	v3 =	vadd.f32 v16, v15;
	[tilespmem:s14+$0xFFFFFC50] =	vst v5  }
0x152: {  	v63 =	vld [tilespmem:s8+$0x40];
	v5 =	vadd.f32 v18, v17;
	[tilespmem:s14+$0x0] =	vst v4  }
0x153: {  	v6 =	vadd.f32 v7, v6;
	[tilespmem:s14+$0xFFFFFC60] =	vst v3;
	v3 =	vld [tilespmem:s31+$0x50]  }
0x154: {  	v7 =	vadd.f32 v9, v8;
	[tilespmem:s14+$0xFFFFFC70] =	vst v5;
	v5 =	vld [tilespmem:s8+$0x50]  }
0x155: {  	v4 =	vld [tilespmem:s31+$0x60];
	[tilespmem:s14+$0x10] =	vst v6;
	v8 =	vadd.f32 v11, v10  }
0x156: {  	s0 =	simm.s32 $0x0;
	[tilespmem:s14+$0x20] =	vst v7;
	v7 =	vld [tilespmem:s8+$0x60]  }
0x157: {  	s18 =	sadd.s32 $0x800, s31;
	s21 =	smov.u32 s8;
	s2 =	smov.u32 s14;
	v6 =	vld [tilespmem:s31+$0xFFFFFC00];
	[tilespmem:s14+$0x30] =	vst v8;
	v8 =	vadd.f32 v63, v62  }
.LBB2_12:
0x158: {  	v9 =	vld [tilespmem:s18+$0x70];
	s21 =	sadd.s32 $0x800, s21  }
0x159: {  	s0 =	sadd.s32 $0x100, s0;
	v10 =	vld [tilespmem:s21+$0x70];
	[tilespmem:s2+$0x40] =	vst v8;
	v3 =	vadd.f32 v5, v3  }
0x15a: {  	p2 =	slt.u32 s0, $0x200;
	v5 =	vld [tilespmem:s21+$0xFFFFFC00]  }
0x15b: {  	v8 =	vld [tilespmem:s18+$0xFFFFFC10];
	[tilespmem:s2+$0x50] =	vst v3;
	v3 =	vadd.f32 v7, v4  }
0x15c: {  	v4 =	vld [tilespmem:s21+$0xFFFFFC10];
	v11 =	vadd.f32 v2, v6  }
0x15d: {  	v6 =	vld [tilespmem:s18+$0xFFFFFC20];
	[tilespmem:s2+$0x60] =	vst v3  }
0x15e: {  	v3 =	vld [tilespmem:s21+$0xFFFFFC20];
	v7 =	vadd.f32 v10, v9;
	[tilespmem:s2+$0xFFFFFC00] =	vst v11  }
0x15f: {  	s2 =	sadd.s32 $0x800, s2;
	v9 =	vld [tilespmem:s18+$0xFFFFFC30];
	v2 =	vmov v5  }
0x160: {  	v5 =	vld [tilespmem:s21+$0xFFFFFC30];
	[tilespmem:s2+$0x70] =	vst v7  }
0x161: {  	v4 =	vadd.f32 v4, v8;
	v7 =	vld [tilespmem:s18+$0xFFFFFC40]  }
0x162: {  	v8 =	vld [tilespmem:s21+$0xFFFFFC40]  }
0x163: {  	[tilespmem:s2+$0xFFFFFC10] =	vst v4;
	v3 =	vadd.f32 v3, v6;
	v4 =	vld [tilespmem:s18+$0xFFFFFC50]  }
0x164: {  	v6 =	vld [tilespmem:s21+$0xFFFFFC50]  }
0x165: {  	[tilespmem:s2+$0xFFFFFC20] =	vst v3;
	v3 =	vadd.f32 v5, v9;
	v5 =	vld [tilespmem:s18+$0xFFFFFC60]  }
0x166: {  	v9 =	vld [tilespmem:s21+$0xFFFFFC60]  }
0x167: {  	[tilespmem:s2+$0xFFFFFC30] =	vst v3;
	v3 =	vadd.f32 v8, v7;
	v7 =	vld [tilespmem:s18+$0xFFFFFC70]  }
0x168: {  	v8 =	vld [tilespmem:s21+$0xFFFFFC70]  }
0x169: {  	[tilespmem:s2+$0xFFFFFC40] =	vst v3;
	v3 =	vadd.f32 v6, v4;
	v4 =	vld [tilespmem:s18+$0x0]  }
0x16a: {  	v6 =	vld [tilespmem:s21+$0x0]  }
0x16b: {  	[tilespmem:s2+$0xFFFFFC50] =	vst v3;
	v3 =	vadd.f32 v9, v5;
	v5 =	vld [tilespmem:s18+$0x10]  }
0x16c: {  	v9 =	vld [tilespmem:s21+$0x10]  }
0x16d: {  	[tilespmem:s2+$0xFFFFFC60] =	vst v3;
	v3 =	vadd.f32 v8, v7;
	v7 =	vld [tilespmem:s18+$0x20]  }
0x16e: {  	v8 =	vld [tilespmem:s21+$0x20]  }
0x16f: {  	[tilespmem:s2+$0xFFFFFC70] =	vst v3;
	v3 =	vadd.f32 v6, v4;
	v4 =	vld [tilespmem:s18+$0x30]  }
0x170: {  	v6 =	vld [tilespmem:s21+$0x30]  }
0x171: {  	[tilespmem:s2+$0x0] =	vst v3;
	v3 =	vadd.f32 v9, v5;
	v9 =	vld [tilespmem:s18+$0x40]  }
0x172: {  	v10 =	vld [tilespmem:s21+$0x40]  }
.Ltmp6:
0x173: {  	[tilespmem:s2+$0x10] =	vst v3;
	v7 =	vadd.f32 v8, v7;
	v3 =	vld [tilespmem:s18+$0x50];
	(pc) =	sbr.rel @p2 .LBB2_12-.Ltmp6, $4  }
0x174: {  	v5 =	vld [tilespmem:s21+$0x50]  }
0x175: {  	[tilespmem:s2+$0x20] =	vst v7;
	v8 =	vadd.f32 v6, v4;
	v4 =	vld [tilespmem:s18+$0x60]  }
0x176: {  	v7 =	vld [tilespmem:s21+$0x60]  }
0x177: {  	v6 =	vld [tilespmem:s18+$0xFFFFFC00];
	[tilespmem:s2+$0x30] =	vst v8;
	v8 =	vadd.f32 v10, v9;
	s18 =	sadd.s32 $0x800, s18  }
0x178: {  	s13 =	sadd.s32 $0x1, s13  }
0x179: {  	p2 =	sne.s32 s13, $0x8  }
.Ltmp7:
0x17a: {  	v3 =	vadd.f32 v5, v3;
	(pc) =	sbr.rel @p2 .LBB2_11-.Ltmp7, $4  }
0x17b: {  	[tilespmem:s2+$0x40] =	vst v8;
	v4 =	vadd.f32 v7, v4  }
0x17c: {  	[tilespmem:s2+$0x50] =	vst v3;
	v2 =	vadd.f32 v2, v6  }
0x17d: {  	[tilespmem:s2+$0x60] =	vst v4  }
0x17e: {  	s14 =	sadd.s32 $0x80, s14;
	s8 =	sadd.s32 $0x80, s8;
	s31 =	sadd.s32 $0x80, s31;
	[tilespmem:s2+$0xFFFFFC00] =	vst v2  }
0x17f: {  	s0 =	sadd.s32 s15, s12  }
0x180: {  	[hbm4b:s0+s6] =	stream.linear.scatter [tilespmem:s28], [sflag:$0xB], $0x1800, $0x38;
	[tilespmem:$0x12400] =	vst v63  }
0x181: {  	v2 =	vld.msk @!p1 [tilespmem:s11+$0x30], $0xff;
	_ =	sdelay $0x4  }
0x182: {  	v3 =	vshrl.u32 @!p1 v2, $0x3  }
0x183: {  	v3 =	vmul.u32 @!p1 $0x30, v3  }
0x184: {  	v4 =	vlaneseq.u32 @!p1;
	v2 =	vand.u32 @!p1 $0x7, v2  }
0x185: {  	v2 =	vor.u32 @!p1 v2, v3;
	v3 =	vand.u32 @!p1 $0x7, v4;
	v4 =	vshrl.u32 @!p1 v4, $0x3  }
0x186: {  	v2 =	vperm.xlane @!p1 v2, v3;
	v3 =	vmul.u32 @!p1 $0x8, v4;
	_ =	sdelay $0x1  }
0x187: {  	v2 =	vadd.s32 @!p1 v3, v2;
	_ =	sdelay $0x3  }
0x188: {  	s2 =	simm.s32 @!p1 $0x3400;
	s0 =	simm.s32 @!p1 $0x0  }
0x189: {  	[tilespmem:s2], [sflag:$0x3] =	stream.indirect_vreg.gather @!p1 [hbm4b:s3+s0], $0x80, v2, vm1, $0xb8;
	[tilespmem:$0x12400] =	vst v63  }
0x18a: {  	s2 =	sadd.s32 @!p1 $0x30, s11  }
0x18b: {  	s8 =	simm.s32 @!p1 $0x3C00;
	s2 =	sadd.s32 @!p1 s5, s2  }
0x18c: {  	[tilespmem:s8], [sflag:$0x3] =	stream.indirect_vreg.gather @!p1 [hbm4b:s9+s0], $0x80, v2, vm1, $0xb8;
	[tilespmem:$0x12400] =	vst v63  }
0x18d: {  	s2 =	sshrl.u32 @!p1 s2, $0x3  }
0x18e: {  	s8 =	simm.s32 @!p1 $0x4400;
	s2 =	smul.u32 @!p1 $0x300, s2  }
0x18f: {  	[tilespmem:s8], [sflag:$0x3] =	stream.indirect_vreg.gather @!p1 [hbm4b:s10+s0], $0x80, v2, vm1, $0xb8;
	[tilespmem:$0x12400] =	vst v63  }
0x190: {  	s8 =	simm.s32 @!p1 $0x9400;
	s2 =	sadd.s32 @!p1 s1, s2  }
0x191: {  	[tilespmem:s8], [sflag:$0x7] =	stream.linear.gather @!p1 [hbm4b:s2+s0], $0x1800, $0x38;
	[tilespmem:$0x12400] =	vst v63  }
0x192: {  	_ =	swait.ge [sflag:s29], $0x1800  }
0x193: {  	[sflag:s29] =	ssyncset.done $0x0  }
0x194: {  	[sflag:s29] =	ssyncadd.s32 $0xFFFFE800  }
0x195: {  	_ =	swait.ge [sflag:s30], $0x1800  }
0x196: {  	[sflag:s30] =	ssyncset.done $0x0  }
0x197: {  	s0 =	simm.s32 @!p0 $0xC;
	[sflag:s30] =	ssyncadd.s32 $0xFFFFE800  }
0x198: {  	_ =	swait.ge @!p0 [sflag:s0], $0x1800  }
0x199: {  	s13 =	simm.s32 $0x0;
	s14 =	simm.s32 $0x11000;
	[sflag:s0] =	ssyncset.done @!p0 $0x0  }
0x19a: {  	s31 =	simm.s32 $0xB000;
	s8 =	simm.s32 $0x5000;
	[sflag:s0] =	ssyncadd.s32 @!p0 $0xFFFFE800  }
.LBB2_15:
0x19b: {  	v3 =	vld [tilespmem:s31+$0x70]  }
0x19c: {  	v4 =	vld [tilespmem:s8+$0x70]  }
0x19d: {  	v2 =	vld [tilespmem:s8+$0xFFFFFC00]  }
0x19e: {  	v5 =	vld [tilespmem:s31+$0xFFFFFC10]  }
0x19f: {  	v6 =	vld [tilespmem:s8+$0xFFFFFC10]  }
0x1a0: {  	v7 =	vld [tilespmem:s31+$0xFFFFFC20]  }
0x1a1: {  	v8 =	vld [tilespmem:s8+$0xFFFFFC20]  }
0x1a2: {  	v9 =	vld [tilespmem:s31+$0xFFFFFC30]  }
0x1a3: {  	v10 =	vld [tilespmem:s8+$0xFFFFFC30]  }
0x1a4: {  	v11 =	vld [tilespmem:s31+$0xFFFFFC40]  }
0x1a5: {  	v12 =	vld [tilespmem:s8+$0xFFFFFC40]  }
0x1a6: {  	v13 =	vld [tilespmem:s31+$0xFFFFFC50]  }
0x1a7: {  	v14 =	vld [tilespmem:s8+$0xFFFFFC50]  }
0x1a8: {  	v15 =	vld [tilespmem:s31+$0xFFFFFC60]  }
0x1a9: {  	v16 =	vld [tilespmem:s8+$0xFFFFFC60]  }
0x1aa: {  	v17 =	vld [tilespmem:s31+$0xFFFFFC70]  }
0x1ab: {  	v18 =	vld [tilespmem:s8+$0xFFFFFC70]  }
0x1ac: {  	v19 =	vld [tilespmem:s31+$0x0]  }
0x1ad: {  	v3 =	vadd.f32 v4, v3;
	v4 =	vld [tilespmem:s8+$0x0]  }
0x1ae: {  	v5 =	vadd.f32 v6, v5;
	v6 =	vld [tilespmem:s31+$0x10]  }
0x1af: {  	[tilespmem:s14+$0x70] =	vst v3;
	v3 =	vadd.f32 v8, v7;
	v7 =	vld [tilespmem:s8+$0x10]  }
0x1b0: {  	[tilespmem:s14+$0xFFFFFC10] =	vst v5;
	v5 =	vadd.f32 v10, v9;
	v8 =	vld [tilespmem:s31+$0x20]  }
0x1b1: {  	v9 =	vld [tilespmem:s8+$0x20];
	[tilespmem:s14+$0xFFFFFC20] =	vst v3;
	v3 =	vadd.f32 v12, v11  }
0x1b2: {  	v10 =	vld [tilespmem:s31+$0x30];
	[tilespmem:s14+$0xFFFFFC30] =	vst v5;
	v5 =	vadd.f32 v14, v13  }
0x1b3: {  	v11 =	vld [tilespmem:s8+$0x30];
	v4 =	vadd.f32 v4, v19;
	[tilespmem:s14+$0xFFFFFC40] =	vst v3  }
0x1b4: {  	v62 =	vld [tilespmem:s31+$0x40];
	v3 =	vadd.f32 v16, v15;
	[tilespmem:s14+$0xFFFFFC50] =	vst v5  }
0x1b5: {  	v63 =	vld [tilespmem:s8+$0x40];
	v5 =	vadd.f32 v18, v17;
	[tilespmem:s14+$0x0] =	vst v4  }
0x1b6: {  	v6 =	vadd.f32 v7, v6;
	[tilespmem:s14+$0xFFFFFC60] =	vst v3;
	v3 =	vld [tilespmem:s31+$0x50]  }
0x1b7: {  	v7 =	vadd.f32 v9, v8;
	[tilespmem:s14+$0xFFFFFC70] =	vst v5;
	v5 =	vld [tilespmem:s8+$0x50]  }
0x1b8: {  	v4 =	vld [tilespmem:s31+$0x60];
	[tilespmem:s14+$0x10] =	vst v6;
	v8 =	vadd.f32 v11, v10  }
0x1b9: {  	s0 =	simm.s32 $0x0;
	[tilespmem:s14+$0x20] =	vst v7;
	v7 =	vld [tilespmem:s8+$0x60]  }
0x1ba: {  	s18 =	sadd.s32 $0x800, s31;
	s21 =	smov.u32 s8;
	s2 =	smov.u32 s14;
	v6 =	vld [tilespmem:s31+$0xFFFFFC00];
	[tilespmem:s14+$0x30] =	vst v8;
	v8 =	vadd.f32 v63, v62  }
.LBB2_16:
0x1bb: {  	v9 =	vld [tilespmem:s18+$0x70];
	s21 =	sadd.s32 $0x800, s21  }
0x1bc: {  	s0 =	sadd.s32 $0x100, s0;
	v10 =	vld [tilespmem:s21+$0x70];
	[tilespmem:s2+$0x40] =	vst v8;
	v3 =	vadd.f32 v5, v3  }
0x1bd: {  	p0 =	slt.u32 s0, $0x200;
	v5 =	vld [tilespmem:s21+$0xFFFFFC00]  }
0x1be: {  	v8 =	vld [tilespmem:s18+$0xFFFFFC10];
	[tilespmem:s2+$0x50] =	vst v3;
	v3 =	vadd.f32 v7, v4  }
0x1bf: {  	v4 =	vld [tilespmem:s21+$0xFFFFFC10];
	v11 =	vadd.f32 v2, v6  }
0x1c0: {  	v6 =	vld [tilespmem:s18+$0xFFFFFC20];
	[tilespmem:s2+$0x60] =	vst v3  }
0x1c1: {  	v3 =	vld [tilespmem:s21+$0xFFFFFC20];
	v7 =	vadd.f32 v10, v9;
	[tilespmem:s2+$0xFFFFFC00] =	vst v11  }
0x1c2: {  	s2 =	sadd.s32 $0x800, s2;
	v9 =	vld [tilespmem:s18+$0xFFFFFC30];
	v2 =	vmov v5  }
0x1c3: {  	v5 =	vld [tilespmem:s21+$0xFFFFFC30];
	[tilespmem:s2+$0x70] =	vst v7  }
0x1c4: {  	v4 =	vadd.f32 v4, v8;
	v7 =	vld [tilespmem:s18+$0xFFFFFC40]  }
0x1c5: {  	v8 =	vld [tilespmem:s21+$0xFFFFFC40]  }
0x1c6: {  	[tilespmem:s2+$0xFFFFFC10] =	vst v4;
	v3 =	vadd.f32 v3, v6;
	v4 =	vld [tilespmem:s18+$0xFFFFFC50]  }
0x1c7: {  	v6 =	vld [tilespmem:s21+$0xFFFFFC50]  }
0x1c8: {  	[tilespmem:s2+$0xFFFFFC20] =	vst v3;
	v3 =	vadd.f32 v5, v9;
	v5 =	vld [tilespmem:s18+$0xFFFFFC60]  }
0x1c9: {  	v9 =	vld [tilespmem:s21+$0xFFFFFC60]  }
0x1ca: {  	[tilespmem:s2+$0xFFFFFC30] =	vst v3;
	v3 =	vadd.f32 v8, v7;
	v7 =	vld [tilespmem:s18+$0xFFFFFC70]  }
0x1cb: {  	v8 =	vld [tilespmem:s21+$0xFFFFFC70]  }
0x1cc: {  	[tilespmem:s2+$0xFFFFFC40] =	vst v3;
	v3 =	vadd.f32 v6, v4;
	v4 =	vld [tilespmem:s18+$0x0]  }
0x1cd: {  	v6 =	vld [tilespmem:s21+$0x0]  }
0x1ce: {  	[tilespmem:s2+$0xFFFFFC50] =	vst v3;
	v3 =	vadd.f32 v9, v5;
	v5 =	vld [tilespmem:s18+$0x10]  }
0x1cf: {  	v9 =	vld [tilespmem:s21+$0x10]  }
0x1d0: {  	[tilespmem:s2+$0xFFFFFC60] =	vst v3;
	v3 =	vadd.f32 v8, v7;
	v7 =	vld [tilespmem:s18+$0x20]  }
0x1d1: {  	v8 =	vld [tilespmem:s21+$0x20]  }
0x1d2: {  	[tilespmem:s2+$0xFFFFFC70] =	vst v3;
	v3 =	vadd.f32 v6, v4;
	v4 =	vld [tilespmem:s18+$0x30]  }
0x1d3: {  	v6 =	vld [tilespmem:s21+$0x30]  }
0x1d4: {  	[tilespmem:s2+$0x0] =	vst v3;
	v3 =	vadd.f32 v9, v5;
	v9 =	vld [tilespmem:s18+$0x40]  }
0x1d5: {  	v10 =	vld [tilespmem:s21+$0x40]  }
.Ltmp8:
0x1d6: {  	[tilespmem:s2+$0x10] =	vst v3;
	v7 =	vadd.f32 v8, v7;
	v3 =	vld [tilespmem:s18+$0x50];
	(pc) =	sbr.rel @p0 .LBB2_16-.Ltmp8, $4  }
0x1d7: {  	v5 =	vld [tilespmem:s21+$0x50]  }
0x1d8: {  	[tilespmem:s2+$0x20] =	vst v7;
	v8 =	vadd.f32 v6, v4;
	v4 =	vld [tilespmem:s18+$0x60]  }
0x1d9: {  	v7 =	vld [tilespmem:s21+$0x60]  }
0x1da: {  	v6 =	vld [tilespmem:s18+$0xFFFFFC00];
	[tilespmem:s2+$0x30] =	vst v8;
	v8 =	vadd.f32 v10, v9;
	s18 =	sadd.s32 $0x800, s18  }
0x1db: {  	s13 =	sadd.s32 $0x1, s13  }
0x1dc: {  	p0 =	sne.s32 s13, $0x8  }
.Ltmp9:
0x1dd: {  	v3 =	vadd.f32 v5, v3;
	(pc) =	sbr.rel @p0 .LBB2_15-.Ltmp9, $4  }
0x1de: {  	[tilespmem:s2+$0x40] =	vst v8;
	v4 =	vadd.f32 v7, v4  }
0x1df: {  	[tilespmem:s2+$0x50] =	vst v3;
	v2 =	vadd.f32 v2, v6  }
0x1e0: {  	[tilespmem:s2+$0x60] =	vst v4  }
0x1e1: {  	s14 =	sadd.s32 $0x80, s14;
	s8 =	sadd.s32 $0x80, s8;
	s31 =	sadd.s32 $0x80, s31;
	[tilespmem:s2+$0xFFFFFC00] =	vst v2  }
.Ltmp10:
0x1e2: {  	(pc) =	sbr.rel @p1 .LBB2_20-.Ltmp10, $3  }
0x1e3: {  	_ =	sdelay $0x1  }
0x1e4: {  	s0 =	sadd.s32 s16, s12  }
0x1e5: {  	[hbm4b:s0+s6] =	stream.linear.scatter [tilespmem:s7], [sflag:$0xC], $0x1800, $0x38;
	[tilespmem:$0x12400] =	vst v63  }
0x1e6: {  	v2 =	vld.msk [tilespmem:s11+$0x38], $0xff;
	_ =	sdelay $0x4  }
0x1e7: {  	v3 =	vshrl.u32 v2, $0x3  }
0x1e8: {  	v3 =	vmul.u32 $0x30, v3  }
0x1e9: {  	v2 =	vand.u32 $0x7, v2  }
0x1ea: {  	v2 =	vor.u32 v2, v3  }
0x1eb: {  	v2 =	vperm.xlane v2, v0;
	_ =	sdelay $0x1  }
0x1ec: {  	v2 =	vadd.s32 v1, v2;
	_ =	sdelay $0x3  }
0x1ed: {  	s0 =	simm.s32 $0x4C00;
	s18 =	sadd.s32 $0x38, s11  }
0x1ee: {  	[tilespmem:s0], [sflag:$0x4] =	stream.indirect_vreg.gather [hbm4b:s3+s6], $0x80, v2, vm0, $0xb8;
	[tilespmem:$0x12400] =	vst v63  }
0x1ef: {  	s2 =	simm.s32 $0x5400;
	s0 =	sadd.s32 s5, s18  }
0x1f0: {  	[tilespmem:s2], [sflag:$0x4] =	stream.indirect_vreg.gather [hbm4b:s9+s6], $0x80, v2, vm0, $0xb8;
	[tilespmem:$0x12400] =	vst v63  }
.Ltmp11:
0x1f1: {  	s0 =	sshrl.u32 s0, $0x3;
	(pc) =	sbr.rel .LBB2_2-.Ltmp11, $4  }
0x1f2: {  	s21 =	simm.s32 $0x5C00;
	s0 =	smul.u32 $0x300, s0  }
0x1f3: {  	[tilespmem:s21], [sflag:$0x4] =	stream.indirect_vreg.gather [hbm4b:s10+s6], $0x80, v2, vm0, $0xb8;
	[tilespmem:$0x12400] =	vst v63  }
0x1f4: {  	s31 =	simm.s32 $0xAC00;
	s17 =	sadd.s32 $0x1, s17;
	s0 =	sadd.s32 s1, s0  }
0x1f5: {  	[tilespmem:s31], [sflag:$0x8] =	stream.linear.gather [hbm4b:s0+s6], $0x1800, $0x38;
	[tilespmem:$0x12400] =	vst v63  }
.LBB2_21:
0x1f6: {  	_ =	sfence.sel $0x180000  }
0x1f7: {  	[bflag:$0x0] =	sbarrier.arrive $0xFFFF  }
0x1f8: {  	_ =	strace $0x90000047  }
0x1f9: {  	s0 =	stileid.u32;
	[bflag:$0x2] =	sbarrier.arrive $0xFFFF  }
0x1fa: {  	p0 =	sne.s32 s0, $0x0;
	s0 =	rddreg [dreg:$0x4]  }
0x1fb: {  	s0 =	sadd.s32 @!p0 $0x100000, s0  }
0x1fc: {  	[sflag:s0] =	ssyncadd.tile.s32 @!p0 $0x1;
	_ =	shalt  }
.Lfunc_end2:
_tile_overlayer_lowered:
.L_overlay_start_2:
0x1fd: {  	(tag) =	ssettag $0x2  }
0x1fe: {  	s0 =	rddreg [dreg:$0x0];
	s2 =	stileid.u32  }
0x1ff: {  	s1 =	rddreg [dreg:$0x1];
	p0 =	sne.s32 s2, $0x0  }
0x200: {  	s3 =	rddreg [dreg:$0x2];
	[bflag:$0x3] =	sbarrier.arrive $0xFFFF;
	s2 =	simm.s32 @!p0 $0x1C0D  }
0x201: {  	[timem:s3], [sflag:s2] =	dma.local @!p0 [hbm:s0], s1  }
0x202: {  	s0 =	simm.s32 @!p0 $0xD  }
0x203: {  	_ =	swait.ge @!p0 [sflag:s0], s1  }
0x204: {  	s1 =	ssub.s32 @!p0 $0x0, s1;
	[sflag:s0] =	ssyncset.done @!p0 $0x0  }
0x205: {  	[sflag:s0] =	ssyncadd.s32 @!p0 s1  }
0x206: {  	[bflag:$0x3] =	sbarrier.arrive $0xFFFF  }
0x207: {  	_ =	shalt  }

</sc_bundles>
